<compile_context>
chip_gen: v7x
topology: tpu7x:2x2x1
jax: 0.10.2.dev20260603
libtpu: 0.0.44.dev20260713+nightly
codegen_flags: <defaults>
</compile_context>

<pallas_src>
import functools

import jax
import jax.numpy as jnp
from jax import lax
from jax.experimental import pallas as pl
from jax.experimental.pallas import tpu as pltpu
from jax.experimental.pallas import tpu_sc as plsc

VOCAB = 4096
D = 4096
B_SZ, T_SZ = 8, 2048
TOK = B_SZ * T_SZ
NC, NS, L = 2, 16, 16
NW = NC * NS
TPW = TOK // NW
TILES_PER_BATCH = T_SZ // TPW
K = 8
NCH = TPW // K

ROW_BLK = 512
N_BLK = VOCAB // ROW_BLK


def _lse_body(emb_ref, out_ref):
    x = emb_ref[...]
    m = jnp.max(x, axis=1, keepdims=True)
    s = jnp.sum(jnp.exp(x - m), axis=1, keepdims=True)
    out_ref[...] = (m + jnp.log(s)).reshape(1, 1, ROW_BLK)


def _lse_table(emb):
    out = pl.pallas_call(
        _lse_body,
        grid=(N_BLK,),
        in_specs=[pl.BlockSpec((ROW_BLK, D), lambda i: (i, 0))],
        out_specs=pl.BlockSpec((1, 1, ROW_BLK), lambda i: (i, 0, 0)),
        out_shape=jax.ShapeDtypeStruct((N_BLK, 1, ROW_BLK), jnp.float32),
    )(emb)
    return out.reshape(VOCAB)


def _relay_body(emb_h, idx_h, tgt_h, lse_h, out_h, part_h,
                idx_v, tgt_v, lse_v, rows_v, acc_v,
                gsem0, gsem1, osem0, osem1):
    wid = lax.axis_index("s") * NC + lax.axis_index("c")
    b = wid // TILES_PER_BATCH
    base = (wid % TILES_PER_BATCH) * TPW
    pltpu.sync_copy(idx_h.at[pl.ds(wid * TPW, TPW)], idx_v)
    pltpu.sync_copy(tgt_h.at[pl.ds(wid * TPW, TPW)], tgt_v)
    pltpu.sync_copy(lse_h, lse_v)
    acc_v[...] = jnp.zeros((L,), jnp.float32)
    lanes = lax.iota(jnp.int32, L)
    gsems = (gsem0, gsem1)
    osems = (osem0, osem1)

    def gather_start(j, bf):
        pltpu.async_copy(
            emb_h.at[idx_v.at[pl.ds(j * K, K)]],
            rows_v.at[pl.ds(bf * K, K)], gsems[bf])

    def gather_wait(bf):
        pltpu.make_async_copy(
            emb_h.at[pl.ds(0, K)], rows_v.at[pl.ds(bf * K, K)],
            gsems[bf]).wait()

    def out_wait(bf):
        pltpu.make_async_copy(
            rows_v.at[pl.ds(bf * K, K)], out_h.at[b, pl.ds(base, K)],
            osems[bf]).wait()

    gather_start(0, 0)

    def pair(p, carry):
        for bf in (0, 1):
            j = 2 * p + bf
            nb = 1 - bf

            @pl.when(j + 1 < NCH)
            def _():
                @pl.when(j >= 1)
                def _():
                    out_wait(nb)
                gather_start(j + 1, nb)

            gather_wait(bf)
            pltpu.async_copy(
                rows_v.at[pl.ds(bf * K, K)],
                out_h.at[b, pl.ds(base + j * K, K)], osems[bf])
            idx16 = idx_v[pl.ds(p * L, L)]
            tgt16 = tgt_v[pl.ds(p * L, L)]
            rowid = bf * K + jnp.clip(lanes - bf * K, 0, K - 1)
            valid = (lanes >= bf * K) & (lanes < bf * K + K)
            picked = plsc.load_gather(rows_v, [rowid, tgt16])
            lses = plsc.load_gather(lse_v, [idx16])
            acc_v[...] = acc_v[...] + jnp.where(valid, lses - picked, 0.0)
        return carry

    lax.fori_loop(0, NCH // 2, pair, 0)
    out_wait(0)
    out_wait(1)
    pltpu.sync_copy(acc_v, part_h.at[pl.ds(wid * L, L)])


_relay = functools.partial(
    pl.kernel,
    mesh=plsc.VectorSubcoreMesh(core_axis_name="c", subcore_axis_name="s"),
    compiler_params=pltpu.CompilerParams(needs_layout_passes=False),
    out_type=[
        jax.ShapeDtypeStruct((B_SZ, T_SZ, D), jnp.float32),
        jax.ShapeDtypeStruct((NW * L,), jnp.float32),
    ],
    scratch_types=[
        pltpu.VMEM((TPW,), jnp.int32),
        pltpu.VMEM((TPW,), jnp.int32),
        pltpu.VMEM((VOCAB,), jnp.float32),
        pltpu.VMEM((2 * K, D), jnp.float32),
        pltpu.VMEM((L,), jnp.float32),
        pltpu.SemaphoreType.DMA,
        pltpu.SemaphoreType.DMA,
        pltpu.SemaphoreType.DMA,
        pltpu.SemaphoreType.DMA,
    ],
)(_relay_body)


def kernel(idx, targets, emb):
    idx_f = idx.reshape(-1).astype(jnp.int32)
    tgt_f = targets.reshape(-1).astype(jnp.int32)
    lse = _lse_table(emb)
    logits, part = _relay(emb, idx_f, tgt_f, lse)
    loss = jnp.sum(part) / TOK
    return logits, loss

# --- scband reference (transcript-rebuilt; emitter-appended) ---
"""Pipeline reference for scband-bigram-lm-74500502716417 (READ-ONLY COPY).

The authoritative reference and input builder live on the scoring server;
editing this copy changes nothing except your own understanding.
"""

import jax, jax.numpy as jnp
import numpy as np

VOCAB = 4096
B, T = 8, 2048

def setup_inputs(seed: int = 0) -> dict:
    key = jax.random.key(seed)
    k1, k2, k3 = jax.random.split(key, 3)
    idx = jax.random.randint(k1, (B, T), 0, VOCAB, dtype=jnp.int64)
    targets = jax.random.randint(k2, (B, T), 0, VOCAB, dtype=jnp.int64)
    emb = jax.random.normal(k3, (VOCAB, VOCAB), dtype=jnp.float32) * 0.02
    return {"idx": idx, "targets": targets, "emb": emb}

def reference(idx, targets, emb):
    # logits = self.emb(idx)  -> embedding lookup
    logits = jnp.take(emb, idx, axis=0)  # [B, T, C]
    Bb, Tt, C = logits.shape
    logits_flat = logits.reshape(Bb * Tt, C)
    targets_flat = targets.reshape(Bb * Tt)
    # F.cross_entropy (mean reduction)
    lse = jax.scipy.special.logsumexp(logits_flat, axis=-1)
    picked = jnp.take_along_axis(logits_flat, targets_flat[:, None], axis=1)[:, 0]
    loss = jnp.mean(lse - picked)
    return (logits, loss)

if __name__ == "__main__":
    import jax
    _d = setup_inputs()
    print(jax.jit(kernel)(*tuple(_d.values())))

</pallas_src>

<mosaic_0001>
#map = affine_map<(d0, d1) -> (0, 0)>
#map1 = affine_map<(d0, d1) -> (0)>
#map2 = affine_map<(d0, d1) -> (0, 0, 0)>
module attributes {stable_mosaic.version = 14 : i64} {
  func.func @_relay_body(%arg0: i32, %arg1: i32, %arg2: memref<4096x4096xf32, #tpu.memory_space<hbm>>, %arg3: memref<16384xi32, #tpu.memory_space<hbm>>, %arg4: memref<16384xi32, #tpu.memory_space<hbm>>, %arg5: memref<4096xf32, #tpu.memory_space<hbm>>, %arg6: memref<8x2048x4096xf32, #tpu.memory_space<hbm>>, %arg7: memref<512xf32, #tpu.memory_space<hbm>>, %arg8: memref<512xi32, #tpu.memory_space<vmem>>, %arg9: memref<512xi32, #tpu.memory_space<vmem>>, %arg10: memref<4096xf32, #tpu.memory_space<vmem>>, %arg11: memref<16x4096xf32, #tpu.memory_space<vmem>>, %arg12: memref<16xf32, #tpu.memory_space<vmem>>, %arg13: memref<!tpu.dma_semaphore, #tpu.memory_space<semaphore_mem>>, %arg14: memref<!tpu.dma_semaphore, #tpu.memory_space<semaphore_mem>>, %arg15: memref<!tpu.dma_semaphore, #tpu.memory_space<semaphore_mem>>, %arg16: memref<!tpu.dma_semaphore, #tpu.memory_space<semaphore_mem>>) attributes {dimension_semantics = [#tpu.dimension_semantics<core_parallel>, #tpu.dimension_semantics<subcore_parallel>], iteration_bounds = array<i64: 2, 16>, scalar_prefetch = 0 : i64, scratch_operands = 9 : i64, tpu.core_type = #tpu.core_type<sc_vector_subcore>, window_params = [{transform_indices = #map}, {transform_indices = #map1}, {transform_indices = #map1}, {transform_indices = #map1}, {transform_indices = #map2}, {transform_indices = #map1}]} {
    %mul3A = arith.constant 2 : i32
    %mul3A_0 = arith.muli %arg1, %mul3A : i32
    %add3A = arith.addi %mul3A_0, %arg0 : i32
    %jit3A = arith.constant 4 : i32
    %div3A = arith.divsi %add3A, %jit3A : i32
    %sign3A = arith.constant 0 : i32
    %sign3A_1 = arith.cmpi sgt, %add3A, %sign3A : i32
    %sign3A_2 = arith.extui %sign3A_1 : i1 to i32
    %sign3A_3 = arith.constant 0 : i32
    %sign3A_4 = arith.cmpi slt, %add3A, %sign3A_3 : i32
    %sign3A_5 = arith.extui %sign3A_4 : i1 to i32
    %sign3A_6 = arith.subi %sign3A_2, %sign3A_5 : i32
    %sign3A_7 = arith.constant 0 : i32
    %sign3A_8 = arith.cmpi sgt, %jit3A, %sign3A_7 : i32
    %sign3A_9 = arith.extui %sign3A_8 : i1 to i32
    %sign3A_10 = arith.constant 0 : i32
    %sign3A_11 = arith.cmpi slt, %jit3A, %sign3A_10 : i32
    %sign3A_12 = arith.extui %sign3A_11 : i1 to i32
    %sign3A_13 = arith.subi %sign3A_9, %sign3A_12 : i32
    %ne3A = arith.cmpi ne, %sign3A_6, %sign3A_13 : i32
    %rem3A = arith.remsi %add3A, %jit3A : i32
    %ne3A_14 = arith.constant 0 : i32
    %ne3A_15 = arith.cmpi ne, %rem3A, %ne3A_14 : i32
    %and3A = arith.andi %ne3A, %ne3A_15 : i1
    %sub3A = arith.constant 1 : i32
    %sub3A_16 = arith.subi %div3A, %sub3A : i32
    %select_n3A = arith.select %and3A, %sub3A_16, %div3A : i32
    %jit3A_17 = arith.constant 4 : i32
    %eq3A = arith.constant 0 : i32
    %eq3A_18 = arith.cmpi eq, %jit3A_17, %eq3A : i32
    %jit3A_19 = arith.constant 1 : i32
    %select_n3A_20 = arith.select %eq3A_18, %jit3A_19, %jit3A_17 : i32
    %rem3A_21 = arith.remsi %add3A, %select_n3A_20 : i32
    %ne3A_22 = arith.constant 0 : i32
    %ne3A_23 = arith.cmpi ne, %rem3A_21, %ne3A_22 : i32
    %lt3A = arith.constant 0 : i32
    %lt3A_24 = arith.cmpi slt, %rem3A_21, %lt3A : i32
    %lt3A_25 = arith.constant 0 : i32
    %lt3A_26 = arith.cmpi slt, %select_n3A_20, %lt3A_25 : i32
    %ne3A_27 = arith.xori %lt3A_24, %lt3A_26 : i1
    %and3A_28 = arith.andi %ne3A_27, %ne3A_23 : i1
    %add3A_29 = arith.addi %rem3A_21, %select_n3A_20 : i32
    %select_n3A_30 = arith.select %and3A_28, %add3A_29, %rem3A_21 : i32
    %mul3A_31 = arith.constant 512 : i32
    %mul3A_32 = arith.muli %select_n3A_30, %mul3A_31 : i32
    %mul3A_33 = arith.constant 512 : i32
    %mul3A_34 = arith.muli %add3A, %mul3A_33 : i32
    "tpu.region"() ({
      %run_scoped3A = tpu.sem_alloc : memref<!tpu.dma_semaphore, #tpu.memory_space<semaphore_mem>>
      %dma_start3A_76 = tpu.memref_slice %arg3[%mul3A_34] : memref<16384xi32, #tpu.memory_space<hbm>> -> memref<512xi32, #tpu.memory_space<hbm>>
      %dma_start3A_77 = tpu.memref_slice %arg3[%mul3A_34] : memref<16384xi32, #tpu.memory_space<hbm>> -> memref<512xi32, #tpu.memory_space<hbm>>
      tpu.enqueue_dma source(%dma_start3A_77 : memref<512xi32, #tpu.memory_space<hbm>>) target(%arg8 : memref<512xi32, #tpu.memory_space<vmem>>) target_semaphore(%run_scoped3A : memref<!tpu.dma_semaphore, #tpu.memory_space<semaphore_mem>>)
      %dma_wait3A_78 = tpu.memref_slice %arg3[%mul3A_34] : memref<16384xi32, #tpu.memory_space<hbm>> -> memref<512xi32, #tpu.memory_space<hbm>>
      %dma_wait3A_79 = tpu.memref_slice %arg3[%mul3A_34] : memref<16384xi32, #tpu.memory_space<hbm>> -> memref<512xi32, #tpu.memory_space<hbm>>
      tpu.wait_dma2 semaphore(%run_scoped3A : memref<!tpu.dma_semaphore, #tpu.memory_space<semaphore_mem>>) src(%dma_wait3A_79 : memref<512xi32, #tpu.memory_space<hbm>>) dst(%arg8 : memref<512xi32, #tpu.memory_space<vmem>>)
      tpu.yield
    }) : () -> ()
    %mul3A_35 = arith.constant 512 : i32
    %mul3A_36 = arith.muli %add3A, %mul3A_35 : i32
    "tpu.region"() ({
      %run_scoped3A = tpu.sem_alloc : memref<!tpu.dma_semaphore, #tpu.memory_space<semaphore_mem>>
      %dma_start3A_76 = tpu.memref_slice %arg4[%mul3A_36] : memref<16384xi32, #tpu.memory_space<hbm>> -> memref<512xi32, #tpu.memory_space<hbm>>
      %dma_start3A_77 = tpu.memref_slice %arg4[%mul3A_36] : memref<16384xi32, #tpu.memory_space<hbm>> -> memref<512xi32, #tpu.memory_space<hbm>>
      tpu.enqueue_dma source(%dma_start3A_77 : memref<512xi32, #tpu.memory_space<hbm>>) target(%arg9 : memref<512xi32, #tpu.memory_space<vmem>>) target_semaphore(%run_scoped3A : memref<!tpu.dma_semaphore, #tpu.memory_space<semaphore_mem>>)
      %dma_wait3A_78 = tpu.memref_slice %arg4[%mul3A_36] : memref<16384xi32, #tpu.memory_space<hbm>> -> memref<512xi32, #tpu.memory_space<hbm>>
      %dma_wait3A_79 = tpu.memref_slice %arg4[%mul3A_36] : memref<16384xi32, #tpu.memory_space<hbm>> -> memref<512xi32, #tpu.memory_space<hbm>>
      tpu.wait_dma2 semaphore(%run_scoped3A : memref<!tpu.dma_semaphore, #tpu.memory_space<semaphore_mem>>) src(%dma_wait3A_79 : memref<512xi32, #tpu.memory_space<hbm>>) dst(%arg9 : memref<512xi32, #tpu.memory_space<vmem>>)
      tpu.yield
    }) : () -> ()
    "tpu.region"() ({
      %run_scoped3A = tpu.sem_alloc : memref<!tpu.dma_semaphore, #tpu.memory_space<semaphore_mem>>
      tpu.enqueue_dma source(%arg5 : memref<4096xf32, #tpu.memory_space<hbm>>) target(%arg10 : memref<4096xf32, #tpu.memory_space<vmem>>) target_semaphore(%run_scoped3A : memref<!tpu.dma_semaphore, #tpu.memory_space<semaphore_mem>>)
      tpu.wait_dma2 semaphore(%run_scoped3A : memref<!tpu.dma_semaphore, #tpu.memory_space<semaphore_mem>>) src(%arg5 : memref<4096xf32, #tpu.memory_space<hbm>>) dst(%arg10 : memref<4096xf32, #tpu.memory_space<vmem>>)
      tpu.yield
    }) : () -> ()
    %broadcast_in_dim3A = arith.constant 0.000000e+00 : f32
    %broadcast_in_dim3A_37 = vector.broadcast %broadcast_in_dim3A : f32 to vector<16xf32>
    %swap3A = arith.constant 0 : index
    %swap3A_38 = tpu.vector_load %arg12[%swap3A] {strides = array<i32>} : memref<16xf32, #tpu.memory_space<vmem>>, vector<16xf32>,
    tpu.vector_store %arg12[%swap3A], %broadcast_in_dim3A_37 {strides = array<i32>} : memref<16xf32, #tpu.memory_space<vmem>>, vector<16xf32>,
    %iota3A = tpu.iota {dimensions = array<i32: 0>} : vector<16xi32>
    %dma_start3A = arith.constant 0 : i32
    %dma_start3A_39 = arith.constant 0 : i32
    %dma_start3A_40 = tpu.memref_slice %arg11[%dma_start3A, %dma_start3A_39] : memref<16x4096xf32, #tpu.memory_space<vmem>> -> memref<8x4096xf32, #tpu.memory_space<vmem>>
    %dma_start3A_41 = arith.constant 0 : i32
    %dma_start3A_42 = tpu.memref_slice %arg8[%dma_start3A_41] : memref<512xi32, #tpu.memory_space<vmem>> -> memref<8xi32, #tpu.memory_space<vmem>>
    %dma_start3A_43 = arith.constant 0 : i32
    %dma_start3A_44 = arith.constant 0 : i32
    %dma_start3A_45 = tpu.memref_slice %arg2[%dma_start3A_43, %dma_start3A_44] : memref<4096x4096xf32, #tpu.memory_space<hbm>> -> memref<4096x4096xf32, #tpu.memory_space<hbm>>
    tpu.enqueue_indirect_dma source(%dma_start3A_45 : memref<4096x4096xf32, #tpu.memory_space<hbm>>) target(%dma_start3A_40 : memref<8x4096xf32, #tpu.memory_space<vmem>>) offsets(%dma_start3A_42 : memref<8xi32, #tpu.memory_space<vmem>>) semaphore(%arg13 : memref<!tpu.dma_semaphore, #tpu.memory_space<semaphore_mem>>)
    %scan3A = arith.constant 0 : i32
    %scan3A_46 = arith.constant 0 : i32
    %scan3A_47 = arith.constant 32 : i32
    %scan3A_48 = arith.addi %scan3A_46, %scan3A_47 : i32
    %scan3A_49 = arith.constant 1 : i32
    scf.for %scan3A_76 = %scan3A_46 to %scan3A_48 step %scan3A_49  : i32 {
      %mul3A_77 = arith.constant 2 : i32
      %mul3A_78 = arith.muli %mul3A_77, %scan3A_76 : i32
      %add3A_79 = arith.constant 0 : i32
      %add3A_80 = arith.addi %mul3A_78, %add3A_79 : i32
      %add3A_81 = arith.constant 1 : i32
      %add3A_82 = arith.addi %add3A_80, %add3A_81 : i32
      %lt3A_83 = arith.constant 64 : i32
      %lt3A_84 = arith.cmpi slt, %add3A_82, %lt3A_83 : i32
      %convert_element_type3A = arith.extui %lt3A_84 : i1 to i32
      %cond3A = arith.constant 0 : i32
      %cond3A_85 = arith.cmpi ne, %convert_element_type3A, %cond3A : i32
      scf.if %cond3A_85 {
        %ge3A_222 = arith.constant 1 : i32
        %ge3A_223 = arith.cmpi sge, %add3A_80, %ge3A_222 : i32
        %convert_element_type3A_224 = arith.extui %ge3A_223 : i1 to i32
        %cond3A_225 = arith.constant 0 : i32
        %cond3A_226 = arith.cmpi ne, %convert_element_type3A_224, %cond3A_225 : i32
        scf.if %cond3A_226 {
          %dma_wait3A_238 = arith.constant 8 : i32
          %dma_wait3A_239 = arith.constant 0 : i32
          %dma_wait3A_240 = tpu.memref_slice %arg11[%dma_wait3A_238, %dma_wait3A_239] : memref<16x4096xf32, #tpu.memory_space<vmem>> -> memref<8x4096xf32, #tpu.memory_space<vmem>>
          %dma_wait3A_241 = arith.constant 0 : i32
          %dma_wait3A_242 = tpu.memref_slice %arg6[%select_n3A, %mul3A_32, %dma_wait3A_241] : memref<8x2048x4096xf32, #tpu.memory_space<hbm>> -> memref<1x8x4096xf32, #tpu.memory_space<hbm>>
          %dma_wait3A_243 = tpu.memref_squeeze %dma_wait3A_242 : memref<1x8x4096xf32, #tpu.memory_space<hbm>> -> memref<8x4096xf32, #tpu.memory_space<hbm>>
          %dma_wait3A_244 = arith.constant 0 : i32
          %dma_wait3A_245 = tpu.memref_slice %arg6[%select_n3A, %mul3A_32, %dma_wait3A_244] : memref<8x2048x4096xf32, #tpu.memory_space<hbm>> -> memref<1x8x4096xf32, #tpu.memory_space<hbm>>
          %dma_wait3A_246 = tpu.memref_squeeze %dma_wait3A_245 : memref<1x8x4096xf32, #tpu.memory_space<hbm>> -> memref<8x4096xf32, #tpu.memory_space<hbm>>
          %dma_wait3A_247 = arith.constant 8 : i32
          %dma_wait3A_248 = arith.constant 0 : i32
          %dma_wait3A_249 = tpu.memref_slice %arg11[%dma_wait3A_247, %dma_wait3A_248] : memref<16x4096xf32, #tpu.memory_space<vmem>> -> memref<8x4096xf32, #tpu.memory_space<vmem>>
          tpu.wait_dma2 semaphore(%arg16 : memref<!tpu.dma_semaphore, #tpu.memory_space<semaphore_mem>>) src(%dma_wait3A_249 : memref<8x4096xf32, #tpu.memory_space<vmem>>) dst(%dma_wait3A_246 : memref<8x4096xf32, #tpu.memory_space<hbm>>)
        } else {
        }
        %add3A_227 = arith.constant 1 : i32
        %add3A_228 = arith.addi %add3A_80, %add3A_227 : i32
        %mul3A_229 = arith.constant 8 : i32
        %mul3A_230 = arith.muli %add3A_228, %mul3A_229 : i32
        %dma_start3A_231 = arith.constant 8 : i32
        %dma_start3A_232 = arith.constant 0 : i32
        %dma_start3A_233 = tpu.memref_slice %arg11[%dma_start3A_231, %dma_start3A_232] : memref<16x4096xf32, #tpu.memory_space<vmem>> -> memref<8x4096xf32, #tpu.memory_space<vmem>>
        %dma_start3A_234 = tpu.memref_slice %arg8[%mul3A_230] : memref<512xi32, #tpu.memory_space<vmem>> -> memref<8xi32, #tpu.memory_space<vmem>>
        %dma_start3A_235 = arith.constant 0 : i32
        %dma_start3A_236 = arith.constant 0 : i32
        %dma_start3A_237 = tpu.memref_slice %arg2[%dma_start3A_235, %dma_start3A_236] : memref<4096x4096xf32, #tpu.memory_space<hbm>> -> memref<4096x4096xf32, #tpu.memory_space<hbm>>
        tpu.enqueue_indirect_dma source(%dma_start3A_237 : memref<4096x4096xf32, #tpu.memory_space<hbm>>) target(%dma_start3A_233 : memref<8x4096xf32, #tpu.memory_space<vmem>>) offsets(%dma_start3A_234 : memref<8xi32, #tpu.memory_space<vmem>>) semaphore(%arg14 : memref<!tpu.dma_semaphore, #tpu.memory_space<semaphore_mem>>)
      } else {
      }
      %dma_wait3A_86 = arith.constant 0 : i32
      %dma_wait3A_87 = arith.constant 0 : i32
      %dma_wait3A_88 = tpu.memref_slice %arg11[%dma_wait3A_86, %dma_wait3A_87] : memref<16x4096xf32, #tpu.memory_space<vmem>> -> memref<8x4096xf32, #tpu.memory_space<vmem>>
      %dma_wait3A_89 = arith.constant 0 : i32
      %dma_wait3A_90 = arith.constant 0 : i32
      %dma_wait3A_91 = tpu.memref_slice %arg2[%dma_wait3A_89, %dma_wait3A_90] : memref<4096x4096xf32, #tpu.memory_space<hbm>> -> memref<8x4096xf32, #tpu.memory_space<hbm>>
      %dma_wait3A_92 = arith.constant 0 : i32
      %dma_wait3A_93 = arith.constant 0 : i32
      %dma_wait3A_94 = tpu.memref_slice %arg11[%dma_wait3A_92, %dma_wait3A_93] : memref<16x4096xf32, #tpu.memory_space<vmem>> -> memref<8x4096xf32, #tpu.memory_space<vmem>>
      %dma_wait3A_95 = arith.constant 0 : i32
      %dma_wait3A_96 = arith.constant 0 : i32
      %dma_wait3A_97 = tpu.memref_slice %arg2[%dma_wait3A_95, %dma_wait3A_96] : memref<4096x4096xf32, #tpu.memory_space<hbm>> -> memref<8x4096xf32, #tpu.memory_space<hbm>>
      tpu.wait_dma2 semaphore(%arg13 : memref<!tpu.dma_semaphore, #tpu.memory_space<semaphore_mem>>) src(%dma_wait3A_97 : memref<8x4096xf32, #tpu.memory_space<hbm>>) dst(%dma_wait3A_94 : memref<8x4096xf32, #tpu.memory_space<vmem>>)
      %mul3A_98 = arith.constant 8 : i32
      %mul3A_99 = arith.muli %add3A_80, %mul3A_98 : i32
      %add3A_100 = arith.addi %mul3A_32, %mul3A_99 : i32
      %dma_start3A_101 = arith.constant 0 : i32
      %dma_start3A_102 = arith.constant 0 : i32
      %dma_start3A_103 = tpu.memref_slice %arg11[%dma_start3A_101, %dma_start3A_102] : memref<16x4096xf32, #tpu.memory_space<vmem>> -> memref<8x4096xf32, #tpu.memory_space<vmem>>
      %dma_start3A_104 = arith.constant 0 : i32
      %dma_start3A_105 = tpu.memref_slice %arg6[%select_n3A, %add3A_100, %dma_start3A_104] : memref<8x2048x4096xf32, #tpu.memory_space<hbm>> -> memref<1x8x4096xf32, #tpu.memory_space<hbm>>
      %dma_start3A_106 = tpu.memref_squeeze %dma_start3A_105 : memref<1x8x4096xf32, #tpu.memory_space<hbm>> -> memref<8x4096xf32, #tpu.memory_space<hbm>>
      %dma_start3A_107 = arith.constant 0 : i32
      %dma_start3A_108 = tpu.memref_slice %arg6[%select_n3A, %add3A_100, %dma_start3A_107] : memref<8x2048x4096xf32, #tpu.memory_space<hbm>> -> memref<1x8x4096xf32, #tpu.memory_space<hbm>>
      %dma_start3A_109 = tpu.memref_squeeze %dma_start3A_108 : memref<1x8x4096xf32, #tpu.memory_space<hbm>> -> memref<8x4096xf32, #tpu.memory_space<hbm>>
      %dma_start3A_110 = arith.constant 0 : i32
      %dma_start3A_111 = arith.constant 0 : i32
      %dma_start3A_112 = tpu.memref_slice %arg11[%dma_start3A_110, %dma_start3A_111] : memref<16x4096xf32, #tpu.memory_space<vmem>> -> memref<8x4096xf32, #tpu.memory_space<vmem>>
      tpu.enqueue_dma source(%dma_start3A_112 : memref<8x4096xf32, #tpu.memory_space<vmem>>) target(%dma_start3A_109 : memref<8x4096xf32, #tpu.memory_space<hbm>>) target_semaphore(%arg15 : memref<!tpu.dma_semaphore, #tpu.memory_space<semaphore_mem>>)
      %mul3A_113 = arith.constant 16 : i32
      %mul3A_114 = arith.muli %scan3A_76, %mul3A_113 : i32
      %get3A = arith.index_cast %mul3A_114 : i32 to index
      %get3A_115 = tpu.vector_load %arg8[%get3A] {strides = array<i32>} : memref<512xi32, #tpu.memory_space<vmem>>, vector<16xi32>,
      %mul3A_116 = arith.constant 16 : i32
      %mul3A_117 = arith.muli %scan3A_76, %mul3A_116 : i32
      %get3A_118 = arith.index_cast %mul3A_117 : i32 to index
      %get3A_119 = tpu.vector_load %arg9[%get3A_118] {strides = array<i32>} : memref<512xi32, #tpu.memory_space<vmem>>, vector<16xi32>,
      %sub3A_120 = arith.constant 0 : i32
      %sub3A_121 = vector.broadcast %sub3A_120 : i32 to vector<16xi32>
      %sub3A_122 = arith.subi %iota3A, %sub3A_121 : vector<16xi32>
      %jit3A_123 = arith.constant 0 : i32
      %jit3A_124 = arith.constant 7 : i32
      %max3A = vector.broadcast %jit3A_123 : i32 to vector<16xi32>
      %max3A_125 = arith.maxsi %max3A, %sub3A_122 : vector<16xi32>
      %min3A = vector.broadcast %jit3A_124 : i32 to vector<16xi32>
      %min3A_126 = arith.minsi %min3A, %max3A_125 : vector<16xi32>
      %add3A_127 = arith.constant 0 : i32
      %add3A_128 = vector.broadcast %add3A_127 : i32 to vector<16xi32>
      %add3A_129 = arith.addi %add3A_128, %min3A_126 : vector<16xi32>
      %ge3A = arith.constant 0 : i32
      %ge3A_130 = vector.broadcast %ge3A : i32 to vector<16xi32>
      %ge3A_131 = arith.cmpi sge, %iota3A, %ge3A_130 : vector<16xi32>
      %lt3A_132 = arith.constant 8 : i32
      %lt3A_133 = vector.broadcast %lt3A_132 : i32 to vector<16xi32>
      %lt3A_134 = arith.cmpi slt, %iota3A, %lt3A_133 : vector<16xi32>
      %and3A_135 = arith.andi %ge3A_131, %lt3A_134 : vector<16xi1>
      %gather3A = tpu.vector_load_idx %arg11[%add3A_129, %get3A_119] : memref<16x4096xf32, #tpu.memory_space<vmem>>[vector<16xi32>, vector<16xi32>], vector<16xf32>,
      %gather3A_136 = tpu.vector_load_idx %arg10[%get3A_115] : memref<4096xf32, #tpu.memory_space<vmem>>[vector<16xi32>], vector<16xf32>,
      %get3A_137 = arith.constant 0 : index
      %get3A_138 = tpu.vector_load %arg12[%get3A_137] {strides = array<i32>} : memref<16xf32, #tpu.memory_space<vmem>>, vector<16xf32>,
      %sub3A_139 = arith.subf %gather3A_136, %gather3A : vector<16xf32>
      %jit3A_140 = arith.constant 0.000000e+00 : f32
      %broadcast_in_dim3A_141 = vector.broadcast %jit3A_140 : f32 to vector<16xf32>
      %select_n3A_142 = arith.select %and3A_135, %sub3A_139, %broadcast_in_dim3A_141 : vector<16xi1>, vector<16xf32>
      %add3A_143 = arith.addf %get3A_138, %select_n3A_142 : vector<16xf32>
      %swap3A_144 = arith.constant 0 : index
      %swap3A_145 = tpu.vector_load %arg12[%swap3A_144] {strides = array<i32>} : memref<16xf32, #tpu.memory_space<vmem>>, vector<16xf32>,
      tpu.vector_store %arg12[%swap3A_144], %add3A_143 {strides = array<i32>} : memref<16xf32, #tpu.memory_space<vmem>>, vector<16xf32>,
      %mul3A_146 = arith.constant 2 : i32
      %mul3A_147 = arith.muli %mul3A_146, %scan3A_76 : i32
      %add3A_148 = arith.constant 1 : i32
      %add3A_149 = arith.addi %mul3A_147, %add3A_148 : i32
      %add3A_150 = arith.constant 1 : i32
      %add3A_151 = arith.addi %add3A_149, %add3A_150 : i32
      %lt3A_152 = arith.constant 64 : i32
      %lt3A_153 = arith.cmpi slt, %add3A_151, %lt3A_152 : i32
      %convert_element_type3A_154 = arith.extui %lt3A_153 : i1 to i32
      %cond3A_155 = arith.constant 0 : i32
      %cond3A_156 = arith.cmpi ne, %convert_element_type3A_154, %cond3A_155 : i32
      scf.if %cond3A_156 {
        %ge3A_222 = arith.constant 1 : i32
        %ge3A_223 = arith.cmpi sge, %add3A_149, %ge3A_222 : i32
        %convert_element_type3A_224 = arith.extui %ge3A_223 : i1 to i32
        %cond3A_225 = arith.constant 0 : i32
        %cond3A_226 = arith.cmpi ne, %convert_element_type3A_224, %cond3A_225 : i32
        scf.if %cond3A_226 {
          %dma_wait3A_238 = arith.constant 0 : i32
          %dma_wait3A_239 = arith.constant 0 : i32
          %dma_wait3A_240 = tpu.memref_slice %arg11[%dma_wait3A_238, %dma_wait3A_239] : memref<16x4096xf32, #tpu.memory_space<vmem>> -> memref<8x4096xf32, #tpu.memory_space<vmem>>
          %dma_wait3A_241 = arith.constant 0 : i32
          %dma_wait3A_242 = tpu.memref_slice %arg6[%select_n3A, %mul3A_32, %dma_wait3A_241] : memref<8x2048x4096xf32, #tpu.memory_space<hbm>> -> memref<1x8x4096xf32, #tpu.memory_space<hbm>>
          %dma_wait3A_243 = tpu.memref_squeeze %dma_wait3A_242 : memref<1x8x4096xf32, #tpu.memory_space<hbm>> -> memref<8x4096xf32, #tpu.memory_space<hbm>>
          %dma_wait3A_244 = arith.constant 0 : i32
          %dma_wait3A_245 = tpu.memref_slice %arg6[%select_n3A, %mul3A_32, %dma_wait3A_244] : memref<8x2048x4096xf32, #tpu.memory_space<hbm>> -> memref<1x8x4096xf32, #tpu.memory_space<hbm>>
          %dma_wait3A_246 = tpu.memref_squeeze %dma_wait3A_245 : memref<1x8x4096xf32, #tpu.memory_space<hbm>> -> memref<8x4096xf32, #tpu.memory_space<hbm>>
          %dma_wait3A_247 = arith.constant 0 : i32
          %dma_wait3A_248 = arith.constant 0 : i32
          %dma_wait3A_249 = tpu.memref_slice %arg11[%dma_wait3A_247, %dma_wait3A_248] : memref<16x4096xf32, #tpu.memory_space<vmem>> -> memref<8x4096xf32, #tpu.memory_space<vmem>>
          tpu.wait_dma2 semaphore(%arg15 : memref<!tpu.dma_semaphore, #tpu.memory_space<semaphore_mem>>) src(%dma_wait3A_249 : memref<8x4096xf32, #tpu.memory_space<vmem>>) dst(%dma_wait3A_246 : memref<8x4096xf32, #tpu.memory_space<hbm>>)
        } else {
        }
        %add3A_227 = arith.constant 1 : i32
        %add3A_228 = arith.addi %add3A_149, %add3A_227 : i32
        %mul3A_229 = arith.constant 8 : i32
        %mul3A_230 = arith.muli %add3A_228, %mul3A_229 : i32
        %dma_start3A_231 = arith.constant 0 : i32
        %dma_start3A_232 = arith.constant 0 : i32
        %dma_start3A_233 = tpu.memref_slice %arg11[%dma_start3A_231, %dma_start3A_232] : memref<16x4096xf32, #tpu.memory_space<vmem>> -> memref<8x4096xf32, #tpu.memory_space<vmem>>
        %dma_start3A_234 = tpu.memref_slice %arg8[%mul3A_230] : memref<512xi32, #tpu.memory_space<vmem>> -> memref<8xi32, #tpu.memory_space<vmem>>
        %dma_start3A_235 = arith.constant 0 : i32
        %dma_start3A_236 = arith.constant 0 : i32
        %dma_start3A_237 = tpu.memref_slice %arg2[%dma_start3A_235, %dma_start3A_236] : memref<4096x4096xf32, #tpu.memory_space<hbm>> -> memref<4096x4096xf32, #tpu.memory_space<hbm>>
        tpu.enqueue_indirect_dma source(%dma_start3A_237 : memref<4096x4096xf32, #tpu.memory_space<hbm>>) target(%dma_start3A_233 : memref<8x4096xf32, #tpu.memory_space<vmem>>) offsets(%dma_start3A_234 : memref<8xi32, #tpu.memory_space<vmem>>) semaphore(%arg13 : memref<!tpu.dma_semaphore, #tpu.memory_space<semaphore_mem>>)
      } else {
      }
      %dma_wait3A_157 = arith.constant 8 : i32
      %dma_wait3A_158 = arith.constant 0 : i32
      %dma_wait3A_159 = tpu.memref_slice %arg11[%dma_wait3A_157, %dma_wait3A_158] : memref<16x4096xf32, #tpu.memory_space<vmem>> -> memref<8x4096xf32, #tpu.memory_space<vmem>>
      %dma_wait3A_160 = arith.constant 0 : i32
      %dma_wait3A_161 = arith.constant 0 : i32
      %dma_wait3A_162 = tpu.memref_slice %arg2[%dma_wait3A_160, %dma_wait3A_161] : memref<4096x4096xf32, #tpu.memory_space<hbm>> -> memref<8x4096xf32, #tpu.memory_space<hbm>>
      %dma_wait3A_163 = arith.constant 8 : i32
      %dma_wait3A_164 = arith.constant 0 : i32
      %dma_wait3A_165 = tpu.memref_slice %arg11[%dma_wait3A_163, %dma_wait3A_164] : memref<16x4096xf32, #tpu.memory_space<vmem>> -> memref<8x4096xf32, #tpu.memory_space<vmem>>
      %dma_wait3A_166 = arith.constant 0 : i32
      %dma_wait3A_167 = arith.constant 0 : i32
      %dma_wait3A_168 = tpu.memref_slice %arg2[%dma_wait3A_166, %dma_wait3A_167] : memref<4096x4096xf32, #tpu.memory_space<hbm>> -> memref<8x4096xf32, #tpu.memory_space<hbm>>
      tpu.wait_dma2 semaphore(%arg14 : memref<!tpu.dma_semaphore, #tpu.memory_space<semaphore_mem>>) src(%dma_wait3A_168 : memref<8x4096xf32, #tpu.memory_space<hbm>>) dst(%dma_wait3A_165 : memref<8x4096xf32, #tpu.memory_space<vmem>>)
      %mul3A_169 = arith.constant 8 : i32
      %mul3A_170 = arith.muli %add3A_149, %mul3A_169 : i32
      %add3A_171 = arith.addi %mul3A_32, %mul3A_170 : i32
      %dma_start3A_172 = arith.constant 8 : i32
      %dma_start3A_173 = arith.constant 0 : i32
      %dma_start3A_174 = tpu.memref_slice %arg11[%dma_start3A_172, %dma_start3A_173] : memref<16x4096xf32, #tpu.memory_space<vmem>> -> memref<8x4096xf32, #tpu.memory_space<vmem>>
      %dma_start3A_175 = arith.constant 0 : i32
      %dma_start3A_176 = tpu.memref_slice %arg6[%select_n3A, %add3A_171, %dma_start3A_175] : memref<8x2048x4096xf32, #tpu.memory_space<hbm>> -> memref<1x8x4096xf32, #tpu.memory_space<hbm>>
      %dma_start3A_177 = tpu.memref_squeeze %dma_start3A_176 : memref<1x8x4096xf32, #tpu.memory_space<hbm>> -> memref<8x4096xf32, #tpu.memory_space<hbm>>
      %dma_start3A_178 = arith.constant 0 : i32
      %dma_start3A_179 = tpu.memref_slice %arg6[%select_n3A, %add3A_171, %dma_start3A_178] : memref<8x2048x4096xf32, #tpu.memory_space<hbm>> -> memref<1x8x4096xf32, #tpu.memory_space<hbm>>
      %dma_start3A_180 = tpu.memref_squeeze %dma_start3A_179 : memref<1x8x4096xf32, #tpu.memory_space<hbm>> -> memref<8x4096xf32, #tpu.memory_space<hbm>>
      %dma_start3A_181 = arith.constant 8 : i32
      %dma_start3A_182 = arith.constant 0 : i32
      %dma_start3A_183 = tpu.memref_slice %arg11[%dma_start3A_181, %dma_start3A_182] : memref<16x4096xf32, #tpu.memory_space<vmem>> -> memref<8x4096xf32, #tpu.memory_space<vmem>>
      tpu.enqueue_dma source(%dma_start3A_183 : memref<8x4096xf32, #tpu.memory_space<vmem>>) target(%dma_start3A_180 : memref<8x4096xf32, #tpu.memory_space<hbm>>) target_semaphore(%arg16 : memref<!tpu.dma_semaphore, #tpu.memory_space<semaphore_mem>>)
      %mul3A_184 = arith.constant 16 : i32
      %mul3A_185 = arith.muli %scan3A_76, %mul3A_184 : i32
      %get3A_186 = arith.index_cast %mul3A_185 : i32 to index
      %get3A_187 = tpu.vector_load %arg8[%get3A_186] {strides = array<i32>} : memref<512xi32, #tpu.memory_space<vmem>>, vector<16xi32>,
      %mul3A_188 = arith.constant 16 : i32
      %mul3A_189 = arith.muli %scan3A_76, %mul3A_188 : i32
      %get3A_190 = arith.index_cast %mul3A_189 : i32 to index
      %get3A_191 = tpu.vector_load %arg9[%get3A_190] {strides = array<i32>} : memref<512xi32, #tpu.memory_space<vmem>>, vector<16xi32>,
      %sub3A_192 = arith.constant 8 : i32
      %sub3A_193 = vector.broadcast %sub3A_192 : i32 to vector<16xi32>
      %sub3A_194 = arith.subi %iota3A, %sub3A_193 : vector<16xi32>
      %jit3A_195 = arith.constant 0 : i32
      %jit3A_196 = arith.constant 7 : i32
      %max3A_197 = vector.broadcast %jit3A_195 : i32 to vector<16xi32>
      %max3A_198 = arith.maxsi %max3A_197, %sub3A_194 : vector<16xi32>
      %min3A_199 = vector.broadcast %jit3A_196 : i32 to vector<16xi32>
      %min3A_200 = arith.minsi %min3A_199, %max3A_198 : vector<16xi32>
      %add3A_201 = arith.constant 8 : i32
      %add3A_202 = vector.broadcast %add3A_201 : i32 to vector<16xi32>
      %add3A_203 = arith.addi %add3A_202, %min3A_200 : vector<16xi32>
      %ge3A_204 = arith.constant 8 : i32
      %ge3A_205 = vector.broadcast %ge3A_204 : i32 to vector<16xi32>
      %ge3A_206 = arith.cmpi sge, %iota3A, %ge3A_205 : vector<16xi32>
      %lt3A_207 = arith.constant 16 : i32
      %lt3A_208 = vector.broadcast %lt3A_207 : i32 to vector<16xi32>
      %lt3A_209 = arith.cmpi slt, %iota3A, %lt3A_208 : vector<16xi32>
      %and3A_210 = arith.andi %ge3A_206, %lt3A_209 : vector<16xi1>
      %gather3A_211 = tpu.vector_load_idx %arg11[%add3A_203, %get3A_191] : memref<16x4096xf32, #tpu.memory_space<vmem>>[vector<16xi32>, vector<16xi32>], vector<16xf32>,
      %gather3A_212 = tpu.vector_load_idx %arg10[%get3A_187] : memref<4096xf32, #tpu.memory_space<vmem>>[vector<16xi32>], vector<16xf32>,
      %get3A_213 = arith.constant 0 : index
      %get3A_214 = tpu.vector_load %arg12[%get3A_213] {strides = array<i32>} : memref<16xf32, #tpu.memory_space<vmem>>, vector<16xf32>,
      %sub3A_215 = arith.subf %gather3A_212, %gather3A_211 : vector<16xf32>
      %jit3A_216 = arith.constant 0.000000e+00 : f32
      %broadcast_in_dim3A_217 = vector.broadcast %jit3A_216 : f32 to vector<16xf32>
      %select_n3A_218 = arith.select %and3A_210, %sub3A_215, %broadcast_in_dim3A_217 : vector<16xi1>, vector<16xf32>
      %add3A_219 = arith.addf %get3A_214, %select_n3A_218 : vector<16xf32>
      %swap3A_220 = arith.constant 0 : index
      %swap3A_221 = tpu.vector_load %arg12[%swap3A_220] {strides = array<i32>} : memref<16xf32, #tpu.memory_space<vmem>>, vector<16xf32>,
      tpu.vector_store %arg12[%swap3A_220], %add3A_219 {strides = array<i32>} : memref<16xf32, #tpu.memory_space<vmem>>, vector<16xf32>,
    }
    %scan3A_50 = arith.constant 32 : i32
    %dma_wait3A = arith.constant 0 : i32
    %dma_wait3A_51 = arith.constant 0 : i32
    %dma_wait3A_52 = tpu.memref_slice %arg11[%dma_wait3A, %dma_wait3A_51] : memref<16x4096xf32, #tpu.memory_space<vmem>> -> memref<8x4096xf32, #tpu.memory_space<vmem>>
    %dma_wait3A_53 = arith.constant 0 : i32
    %dma_wait3A_54 = tpu.memref_slice %arg6[%select_n3A, %mul3A_32, %dma_wait3A_53] : memref<8x2048x4096xf32, #tpu.memory_space<hbm>> -> memref<1x8x4096xf32, #tpu.memory_space<hbm>>
    %dma_wait3A_55 = tpu.memref_squeeze %dma_wait3A_54 : memref<1x8x4096xf32, #tpu.memory_space<hbm>> -> memref<8x4096xf32, #tpu.memory_space<hbm>>
    %dma_wait3A_56 = arith.constant 0 : i32
    %dma_wait3A_57 = tpu.memref_slice %arg6[%select_n3A, %mul3A_32, %dma_wait3A_56] : memref<8x2048x4096xf32, #tpu.memory_space<hbm>> -> memref<1x8x4096xf32, #tpu.memory_space<hbm>>
    %dma_wait3A_58 = tpu.memref_squeeze %dma_wait3A_57 : memref<1x8x4096xf32, #tpu.memory_space<hbm>> -> memref<8x4096xf32, #tpu.memory_space<hbm>>
    %dma_wait3A_59 = arith.constant 0 : i32
    %dma_wait3A_60 = arith.constant 0 : i32
    %dma_wait3A_61 = tpu.memref_slice %arg11[%dma_wait3A_59, %dma_wait3A_60] : memref<16x4096xf32, #tpu.memory_space<vmem>> -> memref<8x4096xf32, #tpu.memory_space<vmem>>
    tpu.wait_dma2 semaphore(%arg15 : memref<!tpu.dma_semaphore, #tpu.memory_space<semaphore_mem>>) src(%dma_wait3A_61 : memref<8x4096xf32, #tpu.memory_space<vmem>>) dst(%dma_wait3A_58 : memref<8x4096xf32, #tpu.memory_space<hbm>>)
    %dma_wait3A_62 = arith.constant 8 : i32
    %dma_wait3A_63 = arith.constant 0 : i32
    %dma_wait3A_64 = tpu.memref_slice %arg11[%dma_wait3A_62, %dma_wait3A_63] : memref<16x4096xf32, #tpu.memory_space<vmem>> -> memref<8x4096xf32, #tpu.memory_space<vmem>>
    %dma_wait3A_65 = arith.constant 0 : i32
    %dma_wait3A_66 = tpu.memref_slice %arg6[%select_n3A, %mul3A_32, %dma_wait3A_65] : memref<8x2048x4096xf32, #tpu.memory_space<hbm>> -> memref<1x8x4096xf32, #tpu.memory_space<hbm>>
    %dma_wait3A_67 = tpu.memref_squeeze %dma_wait3A_66 : memref<1x8x4096xf32, #tpu.memory_space<hbm>> -> memref<8x4096xf32, #tpu.memory_space<hbm>>
    %dma_wait3A_68 = arith.constant 0 : i32
    %dma_wait3A_69 = tpu.memref_slice %arg6[%select_n3A, %mul3A_32, %dma_wait3A_68] : memref<8x2048x4096xf32, #tpu.memory_space<hbm>> -> memref<1x8x4096xf32, #tpu.memory_space<hbm>>
    %dma_wait3A_70 = tpu.memref_squeeze %dma_wait3A_69 : memref<1x8x4096xf32, #tpu.memory_space<hbm>> -> memref<8x4096xf32, #tpu.memory_space<hbm>>
    %dma_wait3A_71 = arith.constant 8 : i32
    %dma_wait3A_72 = arith.constant 0 : i32
    %dma_wait3A_73 = tpu.memref_slice %arg11[%dma_wait3A_71, %dma_wait3A_72] : memref<16x4096xf32, #tpu.memory_space<vmem>> -> memref<8x4096xf32, #tpu.memory_space<vmem>>
    tpu.wait_dma2 semaphore(%arg16 : memref<!tpu.dma_semaphore, #tpu.memory_space<semaphore_mem>>) src(%dma_wait3A_73 : memref<8x4096xf32, #tpu.memory_space<vmem>>) dst(%dma_wait3A_70 : memref<8x4096xf32, #tpu.memory_space<hbm>>)
    %mul3A_74 = arith.constant 16 : i32
    %mul3A_75 = arith.muli %add3A, %mul3A_74 : i32
    "tpu.region"() ({
      %run_scoped3A = tpu.sem_alloc : memref<!tpu.dma_semaphore, #tpu.memory_space<semaphore_mem>>
      %dma_start3A_76 = tpu.memref_slice %arg7[%mul3A_75] : memref<512xf32, #tpu.memory_space<hbm>> -> memref<16xf32, #tpu.memory_space<hbm>>
      %dma_start3A_77 = tpu.memref_slice %arg7[%mul3A_75] : memref<512xf32, #tpu.memory_space<hbm>> -> memref<16xf32, #tpu.memory_space<hbm>>
      tpu.enqueue_dma source(%arg12 : memref<16xf32, #tpu.memory_space<vmem>>) target(%dma_start3A_77 : memref<16xf32, #tpu.memory_space<hbm>>) target_semaphore(%run_scoped3A : memref<!tpu.dma_semaphore, #tpu.memory_space<semaphore_mem>>)
      %dma_wait3A_78 = tpu.memref_slice %arg7[%mul3A_75] : memref<512xf32, #tpu.memory_space<hbm>> -> memref<16xf32, #tpu.memory_space<hbm>>
      %dma_wait3A_79 = tpu.memref_slice %arg7[%mul3A_75] : memref<512xf32, #tpu.memory_space<hbm>> -> memref<16xf32, #tpu.memory_space<hbm>>
      tpu.wait_dma2 semaphore(%run_scoped3A : memref<!tpu.dma_semaphore, #tpu.memory_space<semaphore_mem>>) src(%arg12 : memref<16xf32, #tpu.memory_space<vmem>>) dst(%dma_wait3A_79 : memref<16xf32, #tpu.memory_space<hbm>>)
      tpu.yield
    }) : () -> ()
    return
  }
}

module attributes {stable_mosaic.version = 14 : i64} {
  func.func @_lse_body(%arg0: i32, %arg1: memref<512x4096xf32, #tpu.memory_space<vmem>>, %arg2: memref<1x1x512xf32, #tpu.memory_space<vmem>>) attributes {dimension_semantics = [#tpu.dimension_semantics<arbitrary>], iteration_bounds = array<i64: 8>, scalar_prefetch = 0 : i64, scratch_operands = 0 : i64, tpu.core_type = #tpu.core_type<tc>, window_params = [{transform_indices = @transform_0, window_bounds = array<i64: 512, 4096>}, {transform_indices = @transform_1, window_bounds = array<i64: 1, 1, 512>}]} {
    %get3A = arith.constant 0 : index
    %get3A_0 = arith.constant 0 : index
    %get3A_1 = vector.load %arg1[%get3A, %get3A_0] : memref<512x4096xf32, #tpu.memory_space<vmem>>, vector<512x4096xf32>
    %reduce_max3A = arith.constant dense<0xFF800000> : vector<512xf32>
    %reduce_max3A_2 = vector.multi_reduction <maximumf>, %get3A_1, %reduce_max3A [1] : vector<512x4096xf32> to vector<512xf32>
    %broadcast_in_dim3A = vector.shape_cast %reduce_max3A_2 : vector<512xf32> to vector<512x1xf32>
    %sub3A = vector.broadcast %broadcast_in_dim3A : vector<512x1xf32> to vector<512x4096xf32>
    %sub3A_3 = arith.subf %get3A_1, %sub3A : vector<512x4096xf32>
    %exp3A = math.exp %sub3A_3 : vector<512x4096xf32>
    %reduce_sum3A = arith.constant dense<0.000000e+00> : vector<512xf32>
    %reduce_sum3A_4 = vector.multi_reduction <add>, %exp3A, %reduce_sum3A [1] : vector<512x4096xf32> to vector<512xf32>
    %broadcast_in_dim3A_5 = vector.shape_cast %reduce_sum3A_4 : vector<512xf32> to vector<512x1xf32>
    %log3A = math.log %broadcast_in_dim3A_5 : vector<512x1xf32>
    %add3A = arith.addf %broadcast_in_dim3A, %log3A : vector<512x1xf32>
    %reshape3A = vector.shape_cast %add3A : vector<512x1xf32> to vector<1x1x512xf32>
    %swap3A = arith.constant 0 : index
    %swap3A_6 = arith.constant 0 : index
    %swap3A_7 = arith.constant 0 : index
    %swap3A_8 = vector.load %arg2[%swap3A, %swap3A_6, %swap3A_7] : memref<1x1x512xf32, #tpu.memory_space<vmem>>, vector<1x1x512xf32>
    tpu.vector_store %arg2[%swap3A, %swap3A_6, %swap3A_7], %reshape3A {strides = array<i32>} : memref<1x1x512xf32, #tpu.memory_space<vmem>>, vector<1x1x512xf32>,
    return
  }
  func.func @transform_0(%arg0: i32) -> (i32, i32) {
    %c0_i32 = arith.constant 0 : i32
    %c0_i32_0 = arith.constant 0 : i32
    return %arg0, %c0_i32 : i32, i32
  }
  func.func @transform_1(%arg0: i32) -> (i32, i32, i32) {
    %c0_i32 = arith.constant 0 : i32
    %c0_i32_0 = arith.constant 0 : i32
    %c0_i32_1 = arith.constant 0 : i32
    return %arg0, %c0_i32, %c0_i32_0 : i32, i32, i32
  }
}

</mosaic_0001>

<sc_bundles>
// kernel: kernel.4.cloned.1.call-start
scs
__scs_entry_jumppad:
0x0: {  	(pc) =	sbr.rel $0x88, $3  }
0x1: {  	(tag) =	ssettag $0x0;
	lr =	simm.s32 $0x1  }
0x2: {  	[smem:$0x3F9E] =	sst lr;
	_ =	strace $0xD0000000  }
0x3: {  	_ = 	snop  }
0x4: {  	_ = 	snop  }
0x5: {  	_ = 	snop  }
0x6: {  	_ = 	snop  }
0x7: {  	_ = 	snop  }
__scs_overlays_trampoline_lowered:
0x8: {  	[smem:$0x3FAD] =	sst s0  }
0x9: {  	[smem:$0x3FAE] =	sst s1  }
0xa: {  	[smem:$0x3FAF] =	sst s2  }
0xb: {  	[smem:$0x3FB0] =	sst s3  }
0xc: {  	[smem:$0x3FB1] =	sst s4  }
0xd: {  	[smem:$0x3FB2] =	sst s5  }
0xe: {  	[smem:$0x3FB3] =	sst s6  }
0xf: {  	[smem:$0x3FB4] =	sst s7  }
0x10: {  	[smem:$0x3FB5] =	sst s8  }
0x11: {  	[smem:$0x3FB6] =	sst s9;
	s0 =	simm.s32 @!p0 $0x0  }
0x12: {  	s1 =	sld [smem:$0x3F9C];
	s0 =	simm.s32 @p0 $0x1  }
0x13: {  	[smem:$0x3FB7] =	sst s0;
	s0 =	simm.s32 @!p1 $0x0  }
0x14: {  	s2 =	sld [smem:$0x3F9B];
	s0 =	simm.s32 @p1 $0x1  }
0x15: {  	[smem:$0x3FB8] =	sst s0;
	s0 =	simm.s32 @!p2 $0x0  }
0x16: {  	s3 =	sld [smem:$0x3FDB];
	s0 =	simm.s32 @p2 $0x1  }
0x17: {  	s4 =	simm.s32 $0x1BF5;
	[smem:$0x3FBA] =	sst s0  }
0x18: {  	s0 =	sld [smem:$0x3F9D];
	_ =	swait.ge [sflag:s4], $0x0  }
0x19: {  	s7 =	sld [smem:$0x3F9E]  }
0x1a: {  	s8 =	sadd.s32 $0xFFFFE003, lr  }
0x1b: {  	s9 =	sadd.s32 $0xFFFFFEF7, lr;
	s5 =	simm.s32 $0xFFFFFFFF;
	p2 =	slt.u32 s8, $0xFFFFF086  }
0x1c: {  	p1 =	slt.u32 s9, $0xF7A;
	s5 =	simm.s32 @!p2 $0x0  }
0x1d: {  	s5 =	simm.s32 @p1 $0x1;
	p0 =	seq.s32 s7, s2  }
0x1e: {  	s7 =	smul.u32 @!p0 $0xF7A, s2;
	p2 =	seq.s32 @!p0 s5, $0x0  }
0x1f: {  	s9 =	smul.u32 $0xF7A, s1;
	s8 =	simm.s32 @!p0 $0x1BF5;
	p2 =	por !p2, p0  }
0x20: {  	[sflag:s8] =	ssyncset.s32 @!p0 $0xFFFFF086;
	s6 =	sadd.s32 @!p0 s3, s7;
	s7 =	simm.s32 @!p0 $0x108  }
0x21: {  	s3 =	sadd.s32 s3, s9;
	s6 =	sadd.s32 @!p0 $0x88, s6;
	s7 =	simm.s32 @p2 $0x1082  }
0x22: {  	[simem:s7], [sflag:s8] =	dma.local @!p0 [hbm:s6], $0xF7A  }
0x23: {  	s9 =	sor.u32 $0xD0000000, s2;
	s6 =	simm.s32 $0x108;
	_ =	swait.ge @!p0 [sflag:s8], $0x0  }
0x24: {  	s3 =	sadd.s32 $0x88, s3;
	s6 =	simm.s32 @!p1 $0x1082;
	[sflag:s4] =	ssyncset.s32 $0xFFFFF086  }
0x25: {  	[simem:s6], [sflag:s4] =	dma.local [hbm:s3], $0xF7A  }
0x26: {  	[smem:$0x3F9E] =	sst s1;
	(tag) =	ssettag s2;
	_ =	strace s9  }
0x27: {  	s1 =	sld [smem:$0x3FAE]  }
0x28: {  	s2 =	sld [smem:$0x3FAF]  }
0x29: {  	s4 =	sld [smem:$0x3FB1]  }
0x2a: {  	p0 =	seq.s32 s5, $0x0;
	s5 =	sld [smem:$0x3FB2]  }
0x2b: {  	s6 =	sld [smem:$0x3FB3]  }
0x2c: {  	s7 =	sld [smem:$0x3FB4]  }
0x2d: {  	s3 =	simm.s32 $0x108;
	s8 =	sld [smem:$0x3FB5]  }
0x2e: {  	s3 =	simm.s32 @!p0 $0x1082;
	s9 =	sld [smem:$0x3FB6]  }
0x2f: {  	lr =	sadd.s32 s0, s3;
	s0 =	sld [smem:$0x3FAD]  }
0x30: {  	s3 =	sld [smem:$0x3FB0]  }
0x31: {  	[smem:$0x3FB9] =	sst s10  }
0x32: {  	s10 =	sld [smem:$0x3FB7];
	_ =	sdelay $0x3  }
0x33: {  	p0 =	seq.s32 s10, $0x1;
	s10 =	sld [smem:$0x3FB9];
	_ =	sdelay $0x3  }
0x34: {  	[smem:$0x3FB9] =	sst s10  }
0x35: {  	s10 =	sld [smem:$0x3FB8];
	_ =	sdelay $0x3  }
0x36: {  	p1 =	seq.s32 s10, $0x1;
	s10 =	sld [smem:$0x3FB9];
	_ =	sdelay $0x3  }
0x37: {  	[smem:$0x3FB9] =	sst s10  }
0x38: {  	s10 =	sld [smem:$0x3FBA]  }
0x39: {  	_ = 	snop;
	(pc) =	sbr.ind lr, $3  }
0x3a: {  	_ = 	snop  }
0x3b: {  	_ = 	snop  }
0x3c: {  	p2 =	seq.s32 s10, $0x1;
	s10 =	sld [smem:$0x3FB9]  }
0x3d: {  	_ =	shalt  }
0x3e: {  	_ =	shalt  }
0x3f: {  	_ =	shalt  }
0x40: {  	_ =	shalt  }
0x41: {  	_ =	shalt  }
0x42: {  	_ =	shalt  }
0x43: {  	_ =	shalt  }
0x44: {  	_ =	shalt  }
0x45: {  	_ =	shalt  }
0x46: {  	_ =	shalt  }
0x47: {  	_ =	shalt  }
0x48: {  	_ =	shalt  }
0x49: {  	_ =	shalt  }
0x4a: {  	_ =	shalt  }
0x4b: {  	_ =	shalt  }
0x4c: {  	_ =	shalt  }
0x4d: {  	_ =	shalt  }
0x4e: {  	_ =	shalt  }
0x4f: {  	_ =	shalt  }
0x50: {  	_ =	shalt  }
0x51: {  	_ =	shalt  }
0x52: {  	_ =	shalt  }
0x53: {  	_ =	shalt  }
0x54: {  	_ =	shalt  }
0x55: {  	_ =	shalt  }
0x56: {  	_ =	shalt  }
0x57: {  	_ =	shalt  }
0x58: {  	_ =	shalt  }
0x59: {  	_ =	shalt  }
0x5a: {  	_ =	shalt  }
0x5b: {  	_ =	shalt  }
0x5c: {  	_ =	shalt  }
0x5d: {  	_ =	shalt  }
0x5e: {  	_ =	shalt  }
0x5f: {  	_ =	shalt  }
0x60: {  	_ =	shalt  }
0x61: {  	_ =	shalt  }
0x62: {  	_ =	shalt  }
0x63: {  	_ =	shalt  }
0x64: {  	_ =	shalt  }
0x65: {  	_ =	shalt  }
0x66: {  	_ =	shalt  }
0x67: {  	_ =	shalt  }
0x68: {  	_ =	shalt  }
0x69: {  	_ =	shalt  }
0x6a: {  	_ =	shalt  }
0x6b: {  	_ =	shalt  }
0x6c: {  	_ =	shalt  }
0x6d: {  	_ =	shalt  }
0x6e: {  	_ =	shalt  }
0x6f: {  	_ =	shalt  }
0x70: {  	_ =	shalt  }
0x71: {  	_ =	shalt  }
0x72: {  	_ =	shalt  }
0x73: {  	_ =	shalt  }
0x74: {  	_ =	shalt  }
0x75: {  	_ =	shalt  }
0x76: {  	_ =	shalt  }
0x77: {  	_ =	shalt  }
0x78: {  	_ =	shalt  }
0x79: {  	_ =	shalt  }
0x7a: {  	_ =	shalt  }
0x7b: {  	_ =	shalt  }
0x7c: {  	_ =	shalt  }
0x7d: {  	_ =	shalt  }
0x7e: {  	_ =	shalt  }
0x7f: {  	_ =	shalt  }
0x80: {  	_ =	shalt  }
0x81: {  	_ =	shalt  }
0x82: {  	_ =	shalt  }
0x83: {  	_ =	shalt  }
0x84: {  	_ =	shalt  }
0x85: {  	_ =	shalt  }
0x86: {  	_ =	shalt  }
0x87: {  	_ =	shalt  }
.Lfunc_end0:
.L_simem_size_0:
called_computation_lowered:
.L_overlay_start_0:
0x88: {  	s2 =	sld [smem:$0x3FD9]  }
0x89: {  	s3 =	sld [smem:$0x3FFE];
	_ =	sdelay $0x1  }
0x8a: {  	s1 =	srdreg.scid  }
0x8b: {  	s0 =	sand.u32 $0x1, s1  }
0x8c: {  	s14 =	sshll.u32 s0, $0xA;
	s2 =	sadd.s32 s3, s2  }
0x8d: {  	s2 =	sadd.s32 s2, s14  }
0x8e: {  	[smem:$0x3FC5] =	sst s2  }
0x8f: {  	_ = 	snop  }
0x90: {  	s2 =	sld [smem:$0x3FD0];
	_ =	sdelay $0x2  }
0x91: {  	s4 =	simm.s32 $0xA;
	s5 =	simm.s32 $0x10;
	s15 =	sld [smem:$0x3FC7]  }
0x92: {  	[smem:s5], [sflag:s4] =	dma.local [hbm:s2], $0x1  }
0x93: {  	_ =	swait.eq [sflag:s4], $0x1  }
0x94: {  	[sflag:s4] =	ssyncset.done $0x0  }
0x95: {  	[sflag:s4] =	ssyncadd.s32 $0xFFFFFFFF  }
0x96: {  	s16 =	sld [smem:$0x10];
	(tm) =	ssettm $0x1  }
0x97: {  	s17 =	sld [smem:$0x3FFB];
	_ =	sdelay $0x3  }
0x98: {  	_ =	strace s17  }
0x99: {  	s4 =	sld [smem:$0x3FFC];
	_ =	sdelay $0x3  }
0x9a: {  	_ =	strace s4  }
0x9b: {  	s4 =	sld [smem:$0x3FFD];
	_ =	sdelay $0x3  }
0x9c: {  	_ =	strace s4  }
0x9d: {  	_ =	strace $0x8FFFFFFF  }
0x9e: {  	s18 =	sld [smem:$0x3FDB];
	_ =	sdelay $0x1  }
0x9f: {  	s19 =	simm.s32 $_scs_section_size  }
0xa0: {  	s6 =	simm.s32 $_size__tile_overlayer_lowered;
	s7 =	simm.s32 $_tile_overlayer_lowered  }
0xa1: {  	s22 =	simm.s32 $0x1BFF;
	s21 =	sshll.u32 s7, $0x1;
	s4 =	sadd.s32 s19, s18  }
0xa2: {  	s8 =	simm.s32 $0x0;
	s20 =	sshll.u32 s6, $0x1;
	s6 =	sadd.s32 s21, s4  }
0xa3: {  	[timem:s8], [sflag:s22] =	dma.local [hbm:s6], s20  }
0xa4: {  	_ =	swait.ge [sflag:s22], s20  }
0xa5: {  	s5 =	ssub.s32 $0x0, s20;
	[sflag:s22] =	ssyncset.done $0x0  }
0xa6: {  	[sflag:s22] =	ssyncadd.s32 s5;
	_ =	sdelay $0x1  }
0xa7: {  	s23 =	simm.s32 $0x1B8B  }
0xa8: {  	_ =	swait.ge [sflag:s23], $0x1  }
0xa9: {  	[sflag:s23] =	ssyncset.done $0x0  }
0xaa: {  	s25 =	simm.s32 $0x1B8E;
	s24 =	sld [smem:$0x3FFE];
	[sflag:s23] =	ssyncadd.s32 $0xFFFFFFFF  }
0xab: {  	s26 =	simm.s32 $execute0_lowered;
	[smem:$0x3FD2] =	sst s25  }
0xac: {  	s6 =	sshll.u32 s26, $0x1;
	_ =	strace $0x80000046;
	[dreg:$0x1] =	wrdreg $0xFFFFFFFF  }
0xad: {  	s28 =	simm.s32 $_size_execute0_lowered;
	s4 =	sadd.s32 s4, s6;
	[dreg:$0x0] =	wrdreg $0x0  }
0xae: {  	s6 =	sshll.u32 s28, $0x1;
	[dreg:$0x2] =	wrdreg s4  }
0xaf: {  	[dreg:$0x3] =	wrdreg s6  }
0xb0: {  	[dreg:$0x4] =	wrdreg $0xC0  }
0xb1: {  	_ =	task [dreg:s8], $0x5FFFF  }
0xb2: {  	[dreg:$0x1] =	wrdreg $0xFFFFFFFF  }
0xb3: {  	[dreg:$0x0] =	wrdreg $0x60  }
0xb4: {  	[dreg:$0x2] =	wrdreg s15  }
0xb5: {  	[dreg:$0x3] =	wrdreg s24  }
0xb6: {  	[dreg:$0x4] =	wrdreg s16  }
0xb7: {  	[dreg:$0x5] =	wrdreg $0x9  }
0xb8: {  	_ =	task.clear_ibuf [dreg:s8], $0x6FFFF;
	_ =	strace $0x90000046  }
0xb9: {  	s29 =	simm.s32 $0x9;
	_ =	strace $0x80000048  }
0xba: {  	_ =	swait.ge [sflag:s29], $0x1  }
0xbb: {  	[sflag:s29] =	ssyncadd.s32 $0xFFFFFFFF  }
0xbc: {  	_ =	strace $0x90000048  }
0xbd: {  	_ =	sfence  }
0xbe: {  	s30 =	sld [smem:$0x0];
	_ =	sdelay $0x2  }
0xbf: {  	s31 =	sshll.u32 s1, $0xD;
	s1 =	sshrl.u32 s1, $0x2  }
0xc0: {  	s3 =	sand.u32 $0x4000, s31;
	s1 =	sadd.s32 s1, s30  }
0xc1: {  	s0 =	sor.u32 s3, s0;
	s1 =	sshll.u32 s1, $0x11  }
0xc2: {  	s0 =	sor.u32 s1, s0  }
0xc3: {  	s0 =	sadd.s32 $0x8F2B, s0  }
0xc4: {  	[sflag:s0] =	ssyncadd.remote.s32 $0x1  }
0xc5: {  	_ =	sfence.sel $0xFFFF  }
0xc6: {  	[dreg:$0x0] =	wrdreg $0xFFFFFFFF;
	(pc) =	sbr.abs _section_cstart, $3  }
0xc7: {  	[dreg:$0x1] =	wrdreg $0xFFFFFFFF  }
0xc8: {  	_ =	task.clear_ibuf [dreg:s8], $0x2FFFF;
	_ =	strace $0x9FFFFFFF  }
0xc9: {  	(tm) =	ssettm $0x7FFFFFFF  }
tec
execute0_lowered:
.L_overlay_start_1:
0x0: {  	(tag) =	ssettag $0x1  }
0x1: {  	s1 =	rddreg [dreg:$0x0]  }
0x2: {  	s0 =	rddreg [dreg:$0x1]  }
0x3: {  	s2 =	rddreg [dreg:$0x2];
	s4 =	srdreg.scid  }
0x4: {  	s20 =	stileid.u32;
	s3 =	simm.s32 $0x0;
	s16 =	simm.s32 $0x9C00  }
0x5: {  	s17 =	simm.s32 $0xA400;
	s18 =	simm.s32 $0xAC00;
	s19 =	simm.s32 $0xB400  }
0x6: {  	s21 =	simm.s32 $0xBC00;
	s22 =	simm.s32 $0xC400;
	s23 =	simm.s32 $0xCC00  }
0x7: {  	s24 =	simm.s32 $0xD400;
	s25 =	simm.s32 $0xDC00;
	s26 =	simm.s32 $0xE400  }
0x8: {  	s29 =	simm.s32 $0x400;
	[smem:$0x7FF] =	sst s3;
	s8 =	sadd.s32 $0x600, s0  }
0x9: {  	s30 =	simm.s32 $0x1400;
	_ =	strace $0x80000047;
	[dreg:$0x13] =	wrdreg s8  }
0xa: {  	s28 =	simm.s32 $0x9400;
	s31 =	simm.s32 $0x1;
	[dreg:$0x4] =	wrdreg s16  }
0xb: {  	s5 =	sand.u32 $0x1, s4;
	s13 =	sshll.u32 s20, $0x1;
	[dreg:$0x5] =	wrdreg s17  }
0xc: {  	s9 =	sadd.s32 $0x300, s1;
	s10 =	sadd.s32 $0x400, s1;
	[dreg:$0x6] =	wrdreg s18  }
0xd: {  	s11 =	sadd.s32 $0x500, s1;
	s12 =	sadd.s32 $0x600, s1;
	[dreg:$0x7] =	wrdreg s19  }
0xe: {  	s20 =	sshll.u32 s20, $0x16;
	s4 =	sor.u32 s5, s13;
	[dreg:$0x8] =	wrdreg s21  }
0xf: {  	s7 =	ssub.s32 $0x2, s5;
	s8 =	sadd.s32 $0x200, s1;
	[dreg:$0x9] =	wrdreg s22  }
0x10: {  	s13 =	sadd.s32 $0x700, s1;
	s16 =	sadd.s32 $0xA00, s1;
	[dreg:$0xa] =	wrdreg s23  }
0x11: {  	s17 =	sadd.s32 $0xB00, s1;
	s18 =	sadd.s32 $0xC00, s1;
	[dreg:$0xb] =	wrdreg s24  }
0x12: {  	s19 =	sadd.s32 $0xD00, s1;
	s5 =	sshll.u32 s5, $0x15;
	[dreg:$0xc] =	wrdreg s25  }
0x13: {  	[dreg:$0xd] =	wrdreg s26;
	s21 =	simm.s32 $0xEC00;
	s22 =	simm.s32 $0xF400  }
0x14: {  	v0 =	vimm.f32 $0.0e+00;
	s23 =	simm.s32 $0xFC00;
	s24 =	simm.s32 $0x10400;
	[dreg:$0xe] =	wrdreg s21  }
0x15: {  	v2 =	vlaneseq.u32;
	v3 =	vimm.s32 $0x380;
	vm0 =	vcmask $0x300;
	s25 =	simm.s32 $0x10C00;
	s6 =	sshll.u32 s4, $0x6;
	[dreg:$0xf] =	wrdreg s22  }
0x16: {  	vm1 =	vcmask $0xB08;
	v4 =	vimm.s32 $0x8380;
	vm2 =	vcmask $0x2300;
	s4 =	sshll.u32 s4, $0x1;
	s14 =	sshrl.u32 s7, $0x1;
	[dreg:$0x10] =	wrdreg s23  }
0x17: {  	vm3 =	vcmask $0x3B38;
	v3 =	vsel vm0, $0x0, v3;
	vm0 =	vcmask $0x704;
	s5 =	sor.u32 s5, s20;
	s22 =	sadd.s32 $0xE00, s1;
	[dreg:$0x11] =	wrdreg s24  }
0x18: {  	v1 =	vand.u32 $0x7, v2;
	v2 =	vshrl.u32 v2, $0x3;
	v3 =	vsel vm0, $0x80, v3;
	[dreg:$0x12] =	wrdreg s25;
	s23 =	sadd.s32 $0xF00, s1;
	s6 =	sadd.s32 s6, s0  }
0x19: {  	v4 =	vsel vm2, $0x8000, v4;
	v3 =	vsel vm1, $0x100, v3;
	vm1 =	vcmask $0xF0C;
	s4 =	sadd.s32 s4, s0;
	s0 =	ssub.s32 s7, s14;
	s7 =	sadd.s32 $0x100, s1  }
0x1a: {  	vm2 =	vcmask $0x1310;
	s14 =	sadd.s32 $0x800, s1;
	s20 =	sshrl.u32 s5, $0x3;
	v3 =	vsel vm1, $0x180, v3;
	vm1 =	vcmask $0x2724;
	s15 =	sadd.s32 $0x800, s6  }
0x1b: {  	v2 =	vmul.u32 $0x8, v2;
	s5 =	sor.u32 $0x8000, s5;
	s6 =	sadd.s32 $0x1000, s6;
	v4 =	vsel vm1, $0x8080, v4;
	vm1 =	vcmask $0x2B28;
	[dreg:$0x14] =	wrdreg s15  }
0x1c: {  	vm0 =	vmmov $0xffff;
	s20 =	sadd.s32 s20, s2;
	s5 =	sshrl.u32 s5, $0x3;
	[dreg:$0x15] =	wrdreg s6;
	v4 =	vsel vm1, $0x8100, v4;
	vm1 =	vcmask $0x2F2C  }
0x1d: {  	s26 =	sadd.s32 $0x1800, s4;
	s0 =	smax.u32 s0, $0x1;
	v3 =	vsel vm2, $0x200, v3;
	[dreg:$0x16] =	wrdreg s20;
	v4 =	vsel vm1, $0x8180, v4;
	vm1 =	vcmask $0x3330  }
0x1e: {  	vm2 =	vcmask $0x1714;
	s4 =	simm.s32 $0x4;
	s15 =	sadd.s32 $0x900, s1;
	[dreg:$0x18] =	wrdreg s26;
	v4 =	vsel vm1, $0x8200, v4;
	vm1 =	vcmask $0x3734  }
0x1f: {  	s2 =	sadd.s32 s5, s2;
	[dreg:$0x19] =	wrdreg s0;
	s26 =	simm.s32 $0x5;
	v3 =	vsel vm2, $0x280, v3;
	vm2 =	vcmask $0x1B18;
	v4 =	vsel vm1, $0x8280, v4  }
0x20: {  	s0 =	simm.s32 $0x2;
	s5 =	simm.s32 $0x0;
	[dreg:$0x17] =	wrdreg s2;
	v3 =	vsel vm2, $0x300, v3;
	vm1 =	vmmov $0xff;
	v4 =	vsel vm3, $0x8300, v4  }
.LBB2_1:
0x21: {  	s2 =	rddreg [dreg:$0x14]  }
0x22: {  	[tilespmem:s3], [sflag:$0x5] =	stream.linear.gather [hbm4b:s2+s3], $0x200, $0x38;
	[tilespmem:$0x11480] =	vst v63  }
0x23: {  	_ =	swait.ge [sflag:s26], $0x200  }
0x24: {  	[sflag:s26] =	ssyncset.done $0x0  }
0x25: {  	s6 =	simm.s32 $0x200;
	s24 =	rddreg [dreg:$0x15];
	[sflag:s26] =	ssyncadd.s32 $0xFFFFFE00  }
0x26: {  	[tilespmem:s6], [sflag:$0x5] =	stream.linear.gather [hbm4b:s24+s3], $0x200, $0x38;
	[tilespmem:$0x11480] =	vst v63  }
0x27: {  	_ =	swait.ge [sflag:s26], $0x200  }
0x28: {  	[sflag:s26] =	ssyncset.done $0x0  }
0x29: {  	s25 =	rddreg [dreg:$0x13];
	[sflag:s26] =	ssyncadd.s32 $0xFFFFFE00  }
0x2a: {  	[tilespmem:s29], [sflag:$0x5] =	stream.linear.gather [hbm4b:s25+s3], $0x1000, $0x38;
	[tilespmem:$0x11480] =	vst v63  }
0x2b: {  	_ =	swait.ge [sflag:s26], $0x1000  }
0x2c: {  	[sflag:s26] =	ssyncset.done $0x0  }
0x2d: {  	[sflag:s26] =	ssyncadd.s32 $0xFFFFF000  }
0x2e: {  	v5 =	vld.msk [tilespmem:$0x0], $0xff;
	_ =	sdelay $0x4  }
0x2f: {  	v6 =	vshll.u32 v5, $0x5  }
0x30: {  	v5 =	vand.u32 $0x7, v5;
	v6 =	vand.u32 $0xFFFFFF00, v6  }
0x31: {  	v5 =	vor.u32 v5, v6  }
0x32: {  	v5 =	vperm.xlane v5, v1;
	_ =	sdelay $0x1  }
0x33: {  	v5 =	vadd.s32 v2, v5;
	_ =	sdelay $0x3  }
0x34: {  	[tilespmem:$0x11400] =	vst v0  }
0x35: {  	[tilespmem:s30], [sflag:$0x1] =	stream.indirect_vreg.gather [hbm4b:s1+s3], $0x80, v5, vm0, $0xb8;
	[tilespmem:$0x11480] =	vst v63  }
0x36: {  	s6 =	simm.s32 $0x1C00  }
0x37: {  	[tilespmem:s6], [sflag:$0x1] =	stream.indirect_vreg.gather [hbm4b:s7+s3], $0x80, v5, vm0, $0xb8;
	[tilespmem:$0x11480] =	vst v63  }
0x38: {  	s20 =	simm.s32 $0x2400  }
0x39: {  	[tilespmem:s20], [sflag:$0x1] =	stream.indirect_vreg.gather [hbm4b:s8+s3], $0x80, v5, vm0, $0xb8;
	[tilespmem:$0x11480] =	vst v63  }
0x3a: {  	s21 =	simm.s32 $0x2C00  }
0x3b: {  	[tilespmem:s21], [sflag:$0x1] =	stream.indirect_vreg.gather [hbm4b:s9+s3], $0x80, v5, vm0, $0xb8;
	[tilespmem:$0x11480] =	vst v63  }
0x3c: {  	s24 =	simm.s32 $0x3400  }
0x3d: {  	[tilespmem:s24], [sflag:$0x1] =	stream.indirect_vreg.gather [hbm4b:s10+s3], $0x80, v5, vm0, $0xb8;
	[tilespmem:$0x11480] =	vst v63  }
0x3e: {  	s25 =	simm.s32 $0x3C00  }
0x3f: {  	[tilespmem:s25], [sflag:$0x1] =	stream.indirect_vreg.gather [hbm4b:s11+s3], $0x80, v5, vm0, $0xb8;
	[tilespmem:$0x11480] =	vst v63  }
0x40: {  	s6 =	simm.s32 $0x4400  }
0x41: {  	[tilespmem:s6], [sflag:$0x1] =	stream.indirect_vreg.gather [hbm4b:s12+s3], $0x80, v5, vm0, $0xb8;
	[tilespmem:$0x11480] =	vst v63  }
0x42: {  	s20 =	simm.s32 $0x4C00  }
0x43: {  	[tilespmem:s20], [sflag:$0x1] =	stream.indirect_vreg.gather [hbm4b:s13+s3], $0x80, v5, vm0, $0xb8;
	[tilespmem:$0x11480] =	vst v63  }
0x44: {  	s21 =	simm.s32 $0x5400  }
0x45: {  	[tilespmem:s21], [sflag:$0x1] =	stream.indirect_vreg.gather [hbm4b:s14+s3], $0x80, v5, vm0, $0xb8;
	[tilespmem:$0x11480] =	vst v63  }
0x46: {  	s24 =	simm.s32 $0x5C00  }
0x47: {  	[tilespmem:s24], [sflag:$0x1] =	stream.indirect_vreg.gather [hbm4b:s15+s3], $0x80, v5, vm0, $0xb8;
	[tilespmem:$0x11480] =	vst v63  }
0x48: {  	s25 =	simm.s32 $0x6400  }
0x49: {  	[tilespmem:s25], [sflag:$0x1] =	stream.indirect_vreg.gather [hbm4b:s16+s3], $0x80, v5, vm0, $0xb8;
	[tilespmem:$0x11480] =	vst v63  }
0x4a: {  	s6 =	simm.s32 $0x6C00  }
0x4b: {  	[tilespmem:s6], [sflag:$0x1] =	stream.indirect_vreg.gather [hbm4b:s17+s3], $0x80, v5, vm0, $0xb8;
	[tilespmem:$0x11480] =	vst v63  }
0x4c: {  	s20 =	simm.s32 $0x7400  }
0x4d: {  	[tilespmem:s20], [sflag:$0x1] =	stream.indirect_vreg.gather [hbm4b:s18+s3], $0x80, v5, vm0, $0xb8;
	[tilespmem:$0x11480] =	vst v63  }
0x4e: {  	s21 =	simm.s32 $0x7C00  }
0x4f: {  	[tilespmem:s21], [sflag:$0x1] =	stream.indirect_vreg.gather [hbm4b:s19+s3], $0x80, v5, vm0, $0xb8;
	[tilespmem:$0x11480] =	vst v63  }
0x50: {  	s24 =	simm.s32 $0x8400;
	s20 =	rddreg [dreg:$0x16]  }
0x51: {  	[tilespmem:s24], [sflag:$0x1] =	stream.indirect_vreg.gather [hbm4b:s22+s3], $0x80, v5, vm0, $0xb8;
	[tilespmem:$0x11480] =	vst v63  }
0x52: {  	s25 =	simm.s32 $0x8C00;
	s6 =	simm.s32 $0x0;
	s21 =	rddreg [dreg:$0x17]  }
0x53: {  	[tilespmem:s25], [sflag:$0x1] =	stream.indirect_vreg.gather [hbm4b:s23+s3], $0x80, v5, vm0, $0xb8;
	[tilespmem:$0x11480] =	vst v63  }
.LBB2_2:
0x54: {  	p0 =	seq.s32 s6, $0x0  }
0x55: {  	s24 =	simm.s32 @!p0 $0x4  }
0x56: {  	_ =	swait.ge @!p0 [sflag:s24], $0x8000  }
0x57: {  	[sflag:s24] =	ssyncset.done @!p0 $0x0  }
0x58: {  	[sflag:s24] =	ssyncadd.s32 @!p0 $0xFFFF8000;
	s24 =	sshra.s32 s6, $0x2  }
0x59: {  	v5 =	vld.msk [tilespmem:s24+$0x8], $0xff;
	_ =	sdelay $0x4  }
0x5a: {  	v6 =	vshll.u32 v5, $0x5  }
0x5b: {  	v5 =	vand.u32 $0x7, v5;
	v6 =	vand.u32 $0xFFFFFF00, v6  }
0x5c: {  	v5 =	vor.u32 v5, v6  }
0x5d: {  	v5 =	vperm.xlane v5, v1;
	_ =	sdelay $0x1  }
0x5e: {  	v5 =	vadd.s32 v2, v5;
	_ =	sdelay $0x4  }
0x5f: {  	[tilespmem:s28], [sflag:$0x2] =	stream.indirect_vreg.gather [hbm4b:s1+s3], $0x80, v5, vm0, $0xb8;
	[tilespmem:$0x11480] =	vst v63  }
0x60: {  	s25 =	rddreg [dreg:$0x4]  }
0x61: {  	[tilespmem:s25], [sflag:$0x2] =	stream.indirect_vreg.gather [hbm4b:s7+s3], $0x80, v5, vm0, $0xb8;
	[tilespmem:$0x11480] =	vst v63  }
0x62: {  	s2 =	rddreg [dreg:$0x5]  }
0x63: {  	[tilespmem:s2], [sflag:$0x2] =	stream.indirect_vreg.gather [hbm4b:s8+s3], $0x80, v5, vm0, $0xb8;
	[tilespmem:$0x11480] =	vst v63  }
0x64: {  	s25 =	rddreg [dreg:$0x6]  }
0x65: {  	[tilespmem:s25], [sflag:$0x2] =	stream.indirect_vreg.gather [hbm4b:s9+s3], $0x80, v5, vm0, $0xb8;
	[tilespmem:$0x11480] =	vst v63  }
0x66: {  	s2 =	rddreg [dreg:$0x7]  }
0x67: {  	[tilespmem:s2], [sflag:$0x2] =	stream.indirect_vreg.gather [hbm4b:s10+s3], $0x80, v5, vm0, $0xb8;
	[tilespmem:$0x11480] =	vst v63  }
0x68: {  	s25 =	rddreg [dreg:$0x8]  }
0x69: {  	[tilespmem:s25], [sflag:$0x2] =	stream.indirect_vreg.gather [hbm4b:s11+s3], $0x80, v5, vm0, $0xb8;
	[tilespmem:$0x11480] =	vst v63  }
0x6a: {  	s2 =	rddreg [dreg:$0x9]  }
0x6b: {  	[tilespmem:s2], [sflag:$0x2] =	stream.indirect_vreg.gather [hbm4b:s12+s3], $0x80, v5, vm0, $0xb8;
	[tilespmem:$0x11480] =	vst v63  }
0x6c: {  	s25 =	rddreg [dreg:$0xa]  }
0x6d: {  	[tilespmem:s25], [sflag:$0x2] =	stream.indirect_vreg.gather [hbm4b:s13+s3], $0x80, v5, vm0, $0xb8;
	[tilespmem:$0x11480] =	vst v63  }
0x6e: {  	s2 =	rddreg [dreg:$0xb]  }
0x6f: {  	[tilespmem:s2], [sflag:$0x2] =	stream.indirect_vreg.gather [hbm4b:s14+s3], $0x80, v5, vm0, $0xb8;
	[tilespmem:$0x11480] =	vst v63  }
0x70: {  	s25 =	rddreg [dreg:$0xc]  }
0x71: {  	[tilespmem:s25], [sflag:$0x2] =	stream.indirect_vreg.gather [hbm4b:s15+s3], $0x80, v5, vm0, $0xb8;
	[tilespmem:$0x11480] =	vst v63  }
0x72: {  	s2 =	rddreg [dreg:$0xd]  }
0x73: {  	[tilespmem:s2], [sflag:$0x2] =	stream.indirect_vreg.gather [hbm4b:s16+s3], $0x80, v5, vm0, $0xb8;
	[tilespmem:$0x11480] =	vst v63  }
0x74: {  	s25 =	rddreg [dreg:$0xe]  }
0x75: {  	[tilespmem:s25], [sflag:$0x2] =	stream.indirect_vreg.gather [hbm4b:s17+s3], $0x80, v5, vm0, $0xb8;
	[tilespmem:$0x11480] =	vst v63  }
0x76: {  	s2 =	rddreg [dreg:$0xf]  }
0x77: {  	[tilespmem:s2], [sflag:$0x2] =	stream.indirect_vreg.gather [hbm4b:s18+s3], $0x80, v5, vm0, $0xb8;
	[tilespmem:$0x11480] =	vst v63  }
0x78: {  	s25 =	rddreg [dreg:$0x10]  }
0x79: {  	[tilespmem:s25], [sflag:$0x2] =	stream.indirect_vreg.gather [hbm4b:s19+s3], $0x80, v5, vm0, $0xb8;
	[tilespmem:$0x11480] =	vst v63  }
0x7a: {  	s2 =	rddreg [dreg:$0x11]  }
0x7b: {  	[tilespmem:s2], [sflag:$0x2] =	stream.indirect_vreg.gather [hbm4b:s22+s3], $0x80, v5, vm0, $0xb8;
	[tilespmem:$0x11480] =	vst v63  }
0x7c: {  	s25 =	rddreg [dreg:$0x12]  }
0x7d: {  	[tilespmem:s25], [sflag:$0x2] =	stream.indirect_vreg.gather [hbm4b:s23+s3], $0x80, v5, vm0, $0xb8;
	[tilespmem:$0x11480] =	vst v63  }
0x7e: {  	_ =	swait.ge [sflag:s31], $0x8000  }
0x7f: {  	[sflag:s31] =	ssyncset.done $0x0  }
0x80: {  	[sflag:s31] =	ssyncadd.s32 $0xFFFF8000  }
0x81: {  	[hbm4b:s20+s3] =	stream.linear.scatter [tilespmem:s30], [sflag:$0x3], $0x8000, $0x38;
	[tilespmem:$0x11480] =	vst v63  }
0x82: {  	v5 =	vld [tilespmem:s24+$0x200];
	_ =	sdelay $0x3  }
0x83: {  	v7 =	vld [tilespmem:s24+$0x0]  }
0x84: {  	v6 =	vshll.u32 v5, $0x3  }
0x85: {  	v5 =	vand.u32 $0x7F, v5;
	v6 =	vand.u32 $0xFFFFFC00, v6  }
0x86: {  	v5 =	vor.u32 v6, v5  }
0x87: {  	v5 =	vor.u32 v3, v5;
	_ =	sdelay $0x3  }
0x88: {  	v6 =	vld.idx.msk [tilespmem:v7+s29+$0x0], $0xffff  }
0x89: {  	v5 =	vld.idx.msk [tilespmem:v5+s30+$0x0], $0xffff;
	_ =	sdelay $0x2  }
0x8a: {  	v7 =	vld [tilespmem:$0x11400];
	_ =	sdelay $0x1  }
0x8b: {  	v5 =	vsub.f32 v6, v5;
	_ =	sdelay $0x1  }
0x8c: {  	v5 =	vnsel vm1, $0x0, v5  }
0x8d: {  	v5 =	vadd.f32 v5, v7  }
0x8e: {  	p0 =	seq.s32 s6, $0x7C0  }
0x8f: {  	s2 =	simm.s32 @!p0 $0x3;
	[tilespmem:$0x11400] =	vst v5  }
0x90: {  	_ =	swait.ge @!p0 [sflag:s2], $0x8000  }
0x91: {  	[sflag:s2] =	ssyncset.done @!p0 $0x0  }
0x92: {  	[sflag:s2] =	ssyncadd.s32 @!p0 $0xFFFF8000;
	s2 =	sshra.s32 @!p0 s6, $0x2  }
0x93: {  	v5 =	vld.msk @!p0 [tilespmem:s2+$0x10], $0xff;
	_ =	sdelay $0x4  }
0x94: {  	v6 =	vshll.u32 @!p0 v5, $0x5  }
0x95: {  	v7 =	vlaneseq.u32 @!p0;
	v5 =	vand.u32 @!p0 $0x7, v5;
	v6 =	vand.u32 @!p0 $0xFFFFFF00, v6  }
0x96: {  	v5 =	vor.u32 @!p0 v5, v6;
	v6 =	vand.u32 @!p0 $0x7, v7;
	v7 =	vshrl.u32 @!p0 v7, $0x3  }
0x97: {  	v5 =	vperm.xlane @!p0 v5, v6;
	v6 =	vmul.u32 @!p0 $0x8, v7;
	_ =	sdelay $0x1  }
0x98: {  	v5 =	vadd.s32 @!p0 v6, v5;
	_ =	sdelay $0x3  }
0x99: {  	vm2 =	vmmov @!p0 $0xffff;
	s25 =	simm.s32 @!p0 $0x1400;
	s2 =	simm.s32 @!p0 $0x0  }
0x9a: {  	[tilespmem:s25], [sflag:$0x1] =	stream.indirect_vreg.gather @!p0 [hbm4b:s1+s2], $0x80, v5, vm2, $0xb8;
	[tilespmem:$0x11480] =	vst v63  }
0x9b: {  	s25 =	simm.s32 @!p0 $0x1C00  }
0x9c: {  	[tilespmem:s25], [sflag:$0x1] =	stream.indirect_vreg.gather @!p0 [hbm4b:s7+s2], $0x80, v5, vm2, $0xb8;
	[tilespmem:$0x11480] =	vst v63  }
0x9d: {  	s25 =	simm.s32 @!p0 $0x2400  }
0x9e: {  	[tilespmem:s25], [sflag:$0x1] =	stream.indirect_vreg.gather @!p0 [hbm4b:s8+s2], $0x80, v5, vm2, $0xb8;
	[tilespmem:$0x11480] =	vst v63  }
0x9f: {  	s25 =	simm.s32 @!p0 $0x2C00  }
0xa0: {  	[tilespmem:s25], [sflag:$0x1] =	stream.indirect_vreg.gather @!p0 [hbm4b:s9+s2], $0x80, v5, vm2, $0xb8;
	[tilespmem:$0x11480] =	vst v63  }
0xa1: {  	s25 =	simm.s32 @!p0 $0x3400  }
0xa2: {  	[tilespmem:s25], [sflag:$0x1] =	stream.indirect_vreg.gather @!p0 [hbm4b:s10+s2], $0x80, v5, vm2, $0xb8;
	[tilespmem:$0x11480] =	vst v63  }
0xa3: {  	s25 =	simm.s32 @!p0 $0x3C00  }
0xa4: {  	[tilespmem:s25], [sflag:$0x1] =	stream.indirect_vreg.gather @!p0 [hbm4b:s11+s2], $0x80, v5, vm2, $0xb8;
	[tilespmem:$0x11480] =	vst v63  }
0xa5: {  	s25 =	simm.s32 @!p0 $0x4400  }
0xa6: {  	[tilespmem:s25], [sflag:$0x1] =	stream.indirect_vreg.gather @!p0 [hbm4b:s12+s2], $0x80, v5, vm2, $0xb8;
	[tilespmem:$0x11480] =	vst v63  }
0xa7: {  	s25 =	simm.s32 @!p0 $0x4C00  }
0xa8: {  	[tilespmem:s25], [sflag:$0x1] =	stream.indirect_vreg.gather @!p0 [hbm4b:s13+s2], $0x80, v5, vm2, $0xb8;
	[tilespmem:$0x11480] =	vst v63  }
0xa9: {  	s25 =	simm.s32 @!p0 $0x5400  }
0xaa: {  	[tilespmem:s25], [sflag:$0x1] =	stream.indirect_vreg.gather @!p0 [hbm4b:s14+s2], $0x80, v5, vm2, $0xb8;
	[tilespmem:$0x11480] =	vst v63  }
0xab: {  	s25 =	simm.s32 @!p0 $0x5C00  }
0xac: {  	[tilespmem:s25], [sflag:$0x1] =	stream.indirect_vreg.gather @!p0 [hbm4b:s15+s2], $0x80, v5, vm2, $0xb8;
	[tilespmem:$0x11480] =	vst v63  }
0xad: {  	s25 =	simm.s32 @!p0 $0x6400  }
0xae: {  	[tilespmem:s25], [sflag:$0x1] =	stream.indirect_vreg.gather @!p0 [hbm4b:s16+s2], $0x80, v5, vm2, $0xb8;
	[tilespmem:$0x11480] =	vst v63  }
0xaf: {  	s25 =	simm.s32 @!p0 $0x6C00  }
0xb0: {  	[tilespmem:s25], [sflag:$0x1] =	stream.indirect_vreg.gather @!p0 [hbm4b:s17+s2], $0x80, v5, vm2, $0xb8;
	[tilespmem:$0x11480] =	vst v63  }
0xb1: {  	s25 =	simm.s32 @!p0 $0x7400  }
0xb2: {  	[tilespmem:s25], [sflag:$0x1] =	stream.indirect_vreg.gather @!p0 [hbm4b:s18+s2], $0x80, v5, vm2, $0xb8;
	[tilespmem:$0x11480] =	vst v63  }
0xb3: {  	s25 =	simm.s32 @!p0 $0x7C00  }
0xb4: {  	[tilespmem:s25], [sflag:$0x1] =	stream.indirect_vreg.gather @!p0 [hbm4b:s19+s2], $0x80, v5, vm2, $0xb8;
	[tilespmem:$0x11480] =	vst v63  }
0xb5: {  	s25 =	simm.s32 @!p0 $0x8400  }
0xb6: {  	[tilespmem:s25], [sflag:$0x1] =	stream.indirect_vreg.gather @!p0 [hbm4b:s22+s2], $0x80, v5, vm2, $0xb8;
	[tilespmem:$0x11480] =	vst v63  }
0xb7: {  	s25 =	simm.s32 @!p0 $0x8C00  }
0xb8: {  	[tilespmem:s25], [sflag:$0x1] =	stream.indirect_vreg.gather @!p0 [hbm4b:s23+s2], $0x80, v5, vm2, $0xb8;
	[tilespmem:$0x11480] =	vst v63  }
0xb9: {  	_ =	swait.ge [sflag:s0], $0x8000  }
0xba: {  	[sflag:s0] =	ssyncset.done $0x0  }
0xbb: {  	[sflag:s0] =	ssyncadd.s32 $0xFFFF8000  }
0xbc: {  	[hbm4b:s21+s3] =	stream.linear.scatter [tilespmem:s28], [sflag:$0x4], $0x8000, $0x38;
	[tilespmem:$0x11480] =	vst v63  }
0xbd: {  	v5 =	vld [tilespmem:s24+$0x200];
	_ =	sdelay $0x3  }
0xbe: {  	v7 =	vld [tilespmem:s24+$0x0]  }
0xbf: {  	v6 =	vshll.u32 v5, $0x3  }
0xc0: {  	v5 =	vand.u32 $0x7F, v5;
	v6 =	vand.u32 $0xFFFFFC00, v6  }
0xc1: {  	v5 =	vor.u32 v5, v6  }
0xc2: {  	v5 =	vadd.s32 v4, v5;
	_ =	sdelay $0x3  }
0xc3: {  	v6 =	vld.idx.msk [tilespmem:v7+s29+$0x0], $0xffff  }
0xc4: {  	v5 =	vld.idx.msk [tilespmem:v5+s30+$0x0], $0xffff;
	_ =	sdelay $0x2  }
0xc5: {  	v7 =	vld [tilespmem:$0x11400]  }
0xc6: {  	s6 =	sadd.s32 $0x40, s6  }
0xc7: {  	p0 =	sne.s32 s6, $0x800;
	v5 =	vsub.f32 v6, v5  }
.Ltmp0:
0xc8: {  	_ = 	snop;
	(pc) =	sbr.rel @p0 .LBB2_2-.Ltmp0, $3  }
0xc9: {  	v5 =	vsel vm1, $0x0, v5  }
0xca: {  	v5 =	vadd.f32 v5, v7;
	_ =	sdelay $0x1  }
0xcb: {  	s20 =	sadd.s32 $0x2000, s20;
	s21 =	sadd.s32 $0x2000, s21;
	[tilespmem:$0x11400] =	vst v5  }
0xcc: {  	s2 =	simm.s32 $0x3  }
0xcd: {  	_ =	swait.ge [sflag:s2], $0x8000  }
0xce: {  	[sflag:s2] =	ssyncset.done $0x0  }
0xcf: {  	[sflag:s2] =	ssyncadd.s32 $0xFFFF8000  }
0xd0: {  	_ =	swait.ge [sflag:s4], $0x8000  }
0xd1: {  	[sflag:s4] =	ssyncset.done $0x0  }
0xd2: {  	s6 =	simm.s32 $0x11400;
	s24 =	rddreg [dreg:$0x18];
	[sflag:s4] =	ssyncadd.s32 $0xFFFF8000  }
0xd3: {  	[hbm4b:s24+s3] =	stream.linear.scatter [tilespmem:s6], [sflag:$0x5], $0x10, $0x38;
	[tilespmem:$0x11480] =	vst v63  }
0xd4: {  	_ =	swait.ge [sflag:s26], $0x10  }
0xd5: {  	s5 =	sadd.s32 $0x1, s5;
	s25 =	rddreg [dreg:$0x19]  }
0xd6: {  	p0 =	sne.s32 s5, s25  }
.Ltmp1:
0xd7: {  	_ = 	snop;
	(pc) =	sbr.rel @p0 .LBB2_1-.Ltmp1, $3  }
0xd8: {  	_ =	sdelay $0x1  }
0xd9: {  	[sflag:s26] =	ssyncset.done $0x0  }
0xda: {  	[sflag:s26] =	ssyncadd.s32 $0xFFFFFFF0  }
0xdb: {  	_ =	sfence.sel $0x180000  }
0xdc: {  	[bflag:$0x0] =	sbarrier.arrive $0xFFFF  }
0xdd: {  	_ =	strace $0x90000047  }
0xde: {  	s0 =	stileid.u32;
	[bflag:$0x2] =	sbarrier.arrive $0xFFFF  }
0xdf: {  	p0 =	sne.s32 s0, $0x0;
	s0 =	rddreg [dreg:$0x3]  }
0xe0: {  	s0 =	sadd.s32 @!p0 $0x100000, s0  }
0xe1: {  	[sflag:s0] =	ssyncadd.tile.s32 @!p0 $0x1;
	_ =	shalt  }
.Lfunc_end2:
_tile_overlayer_lowered:
.L_overlay_start_2:
0xe2: {  	(tag) =	ssettag $0x2  }
0xe3: {  	s0 =	rddreg [dreg:$0x0];
	s2 =	stileid.u32  }
0xe4: {  	s1 =	rddreg [dreg:$0x1];
	p0 =	sne.s32 s2, $0x0  }
0xe5: {  	s3 =	rddreg [dreg:$0x2];
	[bflag:$0x3] =	sbarrier.arrive $0xFFFF;
	s2 =	simm.s32 @!p0 $0x1C05  }
0xe6: {  	[timem:s3], [sflag:s2] =	dma.local @!p0 [hbm:s0], s1  }
0xe7: {  	s0 =	simm.s32 @!p0 $0x5  }
0xe8: {  	_ =	swait.ge @!p0 [sflag:s0], s1  }
0xe9: {  	s1 =	ssub.s32 @!p0 $0x0, s1;
	[sflag:s0] =	ssyncset.done @!p0 $0x0  }
0xea: {  	[sflag:s0] =	ssyncadd.s32 @!p0 s1  }
0xeb: {  	[bflag:$0x3] =	sbarrier.arrive $0xFFFF  }
0xec: {  	_ =	shalt  }

</sc_bundles>
